<compile_context>
chip_gen: v7x
topology: tpu7x:2x2x1
jax: 0.10.2.dev20260603
libtpu: 0.0.44.dev20260713+nightly
codegen_flags: <defaults>
</compile_context>

<pallas_src>
import functools

import jax
import jax.numpy as jnp
from jax import lax
from jax.experimental import pallas as pl
from jax.experimental.pallas import tpu as pltpu
from jax.experimental.pallas import tpu_sc as plsc

_N = 10000
_E = 320000
_D = 128
_DH = 64
_NS = 16
_CHUNK = 128
_CPT = 157
_EPAD = _NS * _CPT * _CHUNK
_RPT = 624
_TAIL = _N - _NS * _RPT
_NACC = _N + 16
_NBUF = 5


def _tile_work(t, c_off, feat, feat_h, out, src_i, dst_i, idx_s, idx_d,
               bufs, acc, gsems, ssems):
    pltpu.async_copy(src_i.at[pl.ds(t * _CPT, _CPT)], idx_s, ssems[0])
    pltpu.async_copy(dst_i.at[pl.ds(t * _CPT, _CPT)], idx_d, ssems[1])
    pltpu.async_copy(feat.at[pl.ds(t * _RPT, _RPT), pl.ds(c_off, _DH)],
                     acc.at[pl.ds(t * _RPT, _RPT)], ssems[2])

    @pl.when(t == 0)
    def _():
        pltpu.async_copy(feat.at[pl.ds(_NS * _RPT, _TAIL), pl.ds(c_off, _DH)],
                         acc.at[pl.ds(_NS * _RPT, _TAIL)], ssems[3])

    pltpu.make_async_copy(src_i.at[pl.ds(t * _CPT, _CPT)], idx_s,
                          ssems[0]).wait()
    for b in range(_NBUF):
        pltpu.async_copy(feat_h.at[idx_s.at[b]], bufs[b], gsems[b])

    pltpu.make_async_copy(dst_i.at[pl.ds(t * _CPT, _CPT)], idx_d,
                          ssems[1]).wait()
    pltpu.make_async_copy(feat.at[pl.ds(t * _RPT, _RPT), pl.ds(c_off, _DH)],
                          acc.at[pl.ds(t * _RPT, _RPT)], ssems[2]).wait()

    @pl.when(t == 0)
    def _():
        pltpu.make_async_copy(feat.at[pl.ds(_NS * _RPT, _TAIL),
                                      pl.ds(c_off, _DH)],
                              acc.at[pl.ds(_NS * _RPT, _TAIL)],
                              ssems[3]).wait()

    plsc.subcore_barrier()

    def group(kk, carry):
        k = _NBUF * kk
        for b in range(_NBUF):
            pltpu.make_async_copy(feat_h.at[idx_s.at[k + b]], bufs[b],
                                  gsems[b]).wait()
            pltpu.async_copy(bufs[b], acc.at[idx_d.at[k + b]], ssems[b],
                             add=True)
        for b in range(_NBUF):
            @pl.when(k + _NBUF + b < _CPT)
            def _(b=b):
                pltpu.make_async_copy(bufs[b], acc.at[idx_d.at[k + b]],
                                      ssems[b]).wait()
                pltpu.async_copy(feat_h.at[idx_s.at[k + _NBUF + b]], bufs[b],
                                 gsems[b])
        return carry

    lax.fori_loop(0, _CPT // _NBUF, group, 0)
    for b in range(_CPT % _NBUF):
        k = _CPT - (_CPT % _NBUF) + b
        pltpu.make_async_copy(feat_h.at[idx_s.at[k]], bufs[b],
                              gsems[b]).wait()
        pltpu.async_copy(bufs[b], acc.at[idx_d.at[k]], ssems[b], add=True)
    for b in range(_NBUF):
        pltpu.make_async_copy(bufs[b], acc.at[idx_d.at[0]], ssems[b]).wait()
    plsc.subcore_barrier()

    pltpu.sync_copy(acc.at[pl.ds(t * _RPT, _RPT)],
                    out.at[pl.ds(t * _RPT, _RPT), pl.ds(c_off, _DH)])

    @pl.when(t == 0)
    def _():
        pltpu.sync_copy(acc.at[pl.ds(_NS * _RPT, _TAIL)],
                        out.at[pl.ds(_NS * _RPT, _TAIL), pl.ds(c_off, _DH)])


@functools.partial(
    pl.kernel,
    out_type=jax.ShapeDtypeStruct((_N, _D), jnp.float32),
    mesh=plsc.VectorSubcoreMesh(core_axis_name="c", subcore_axis_name="s"),
    compiler_params=pltpu.CompilerParams(use_tc_tiling_on_sc=False),
    scratch_types=[
        pltpu.VMEM((_CPT, _CHUNK), jnp.int32),
        pltpu.VMEM((_CPT, _CHUNK), jnp.int32),
        *[pltpu.VMEM((_CHUNK, _DH), jnp.float32) for _ in range(_NBUF)],
        pltpu.VMEM_SHARED((_NACC, _DH), jnp.float32),
        *[pltpu.SemaphoreType.DMA for _ in range(2 * _NBUF)],
    ],
)
def _gin_sc(feat, feat2, src2_i, dst_i, out, idx_s, idx_d, *rest):
    bufs = rest[:_NBUF]
    acc = rest[_NBUF]
    gsems = rest[_NBUF + 1:2 * _NBUF + 1]
    ssems = rest[2 * _NBUF + 1:]
    cid = lax.axis_index("c")
    t = lax.axis_index("s")

    @pl.when(cid == 0)
    def _():
        _tile_work(t, 0, feat, feat2, out, src2_i, dst_i, idx_s, idx_d,
                   bufs, acc, gsems, ssems)

    @pl.when(cid == 1)
    def _():
        _tile_work(t, _DH, feat, feat2.at[pl.ds(1, 2 * _N - 1)], out,
                   src2_i, dst_i, idx_s, idx_d, bufs, acc, gsems, ssems)


def kernel(feat, edge_index):
    feat2 = lax.optimization_barrier(feat.reshape(2 * _N, _DH))
    ar = jnp.arange(_EPAD - _E, dtype=jnp.int32)
    src2 = jnp.concatenate([edge_index[0] * 2, (ar % _N) * 2])
    dst = jnp.concatenate([edge_index[1], _N + (ar % 16)])
    src2 = src2.reshape(_NS * _CPT, _CHUNK)
    dst = dst.reshape(_NS * _CPT, _CHUNK)
    return _gin_sc(feat, feat2, src2, dst)

# --- scband reference (transcript-rebuilt; emitter-appended) ---
"""Pipeline reference for scband-ginconv-14053132992699 (READ-ONLY COPY).

The authoritative reference and input builder live on the scoring server;
editing this copy changes nothing except your own understanding.
"""

import jax, jax.numpy as jnp
import numpy as np

N = 10000
E = 320000
D = 128
EPS = 0.0

def setup_inputs(seed: int = 0) -> dict:
    key = jax.random.key(seed)
    k1, k2 = jax.random.split(key)
    feat = jax.random.normal(k1, (N, D), dtype=jnp.float32)
    edge_index = jax.random.randint(k2, (2, E), 0, N, dtype=jnp.int32)
    return {"feat": feat, "edge_index": edge_index}

def reference(feat, edge_index):
    # GINConv forward with aggregator_type='sum', apply_func=None, eps=0 (buffer)
    src = edge_index[0]
    dst = edge_index[1]
    # message: m = h_src (gather)
    msgs = jnp.take(feat, src, axis=0)
    # reduce: neigh = sum of messages at dst nodes (scatter-add / segment_sum)
    neigh = jax.ops.segment_sum(msgs, dst, num_segments=N)
    # rst = (1 + eps) * feat_dst + neigh
    rst = (1.0 + EPS) * feat + neigh
    return rst

if __name__ == "__main__":
    import jax
    _d = setup_inputs()
    print(jax.jit(kernel)(*tuple(_d.values())))

</pallas_src>

<mosaic_0001>
#map = affine_map<(d0, d1) -> (0, 0)>
module attributes {stable_mosaic.version = 14 : i64} {
  func.func @_gin_sc(%arg0: i32, %arg1: i32, %arg2: memref<10000x128xf32, #tpu.memory_space<hbm>>, %arg3: memref<20000x64xf32, #tpu.memory_space<hbm>>, %arg4: memref<2512x128xi32, #tpu.memory_space<hbm>>, %arg5: memref<2512x128xi32, #tpu.memory_space<hbm>>, %arg6: memref<10000x128xf32, #tpu.memory_space<hbm>>, %arg7: memref<157x128xi32, #tpu.memory_space<vmem>>, %arg8: memref<157x128xi32, #tpu.memory_space<vmem>>, %arg9: memref<128x64xf32, #tpu.memory_space<vmem>>, %arg10: memref<128x64xf32, #tpu.memory_space<vmem>>, %arg11: memref<128x64xf32, #tpu.memory_space<vmem>>, %arg12: memref<128x64xf32, #tpu.memory_space<vmem>>, %arg13: memref<128x64xf32, #tpu.memory_space<vmem>>, %arg14: memref<10016x64xf32, #tpu.memory_space<vmem_shared>>, %arg15: memref<!tpu.dma_semaphore, #tpu.memory_space<semaphore_mem>>, %arg16: memref<!tpu.dma_semaphore, #tpu.memory_space<semaphore_mem>>, %arg17: memref<!tpu.dma_semaphore, #tpu.memory_space<semaphore_mem>>, %arg18: memref<!tpu.dma_semaphore, #tpu.memory_space<semaphore_mem>>, %arg19: memref<!tpu.dma_semaphore, #tpu.memory_space<semaphore_mem>>, %arg20: memref<!tpu.dma_semaphore, #tpu.memory_space<semaphore_mem>>, %arg21: memref<!tpu.dma_semaphore, #tpu.memory_space<semaphore_mem>>, %arg22: memref<!tpu.dma_semaphore, #tpu.memory_space<semaphore_mem>>, %arg23: memref<!tpu.dma_semaphore, #tpu.memory_space<semaphore_mem>>, %arg24: memref<!tpu.dma_semaphore, #tpu.memory_space<semaphore_mem>>) attributes {dimension_semantics = [#tpu.dimension_semantics<core_parallel>, #tpu.dimension_semantics<subcore_parallel>], iteration_bounds = array<i64: 2, 16>, scalar_prefetch = 0 : i64, scratch_operands = 18 : i64, tpu.core_type = #tpu.core_type<sc_vector_subcore>, window_params = [{transform_indices = #map}, {transform_indices = #map}, {transform_indices = #map}, {transform_indices = #map}, {transform_indices = #map}]} {
    %eq3A = arith.constant 0 : i32
    %eq3A_0 = arith.cmpi eq, %arg0, %eq3A : i32
    %convert_element_type3A = arith.extui %eq3A_0 : i1 to i32
    %cond3A = arith.constant 0 : i32
    %cond3A_1 = arith.cmpi ne, %convert_element_type3A, %cond3A : i32
    scf.if %cond3A_1 {
      %mul3A = arith.constant 157 : i32
      %mul3A_7 = arith.muli %arg1, %mul3A : i32
      %dma_start3A = arith.constant 0 : i32
      %dma_start3A_8 = tpu.memref_slice %arg4[%mul3A_7, %dma_start3A] : memref<2512x128xi32, #tpu.memory_space<hbm>> -> memref<157x128xi32, #tpu.memory_space<hbm>>
      %dma_start3A_9 = arith.constant 0 : i32
      %dma_start3A_10 = tpu.memref_slice %arg4[%mul3A_7, %dma_start3A_9] : memref<2512x128xi32, #tpu.memory_space<hbm>> -> memref<157x128xi32, #tpu.memory_space<hbm>>
      tpu.enqueue_dma source(%dma_start3A_10 : memref<157x128xi32, #tpu.memory_space<hbm>>) target(%arg7 : memref<157x128xi32, #tpu.memory_space<vmem>>) target_semaphore(%arg20 : memref<!tpu.dma_semaphore, #tpu.memory_space<semaphore_mem>>)
      %mul3A_11 = arith.constant 157 : i32
      %mul3A_12 = arith.muli %arg1, %mul3A_11 : i32
      %dma_start3A_13 = arith.constant 0 : i32
      %dma_start3A_14 = tpu.memref_slice %arg5[%mul3A_12, %dma_start3A_13] : memref<2512x128xi32, #tpu.memory_space<hbm>> -> memref<157x128xi32, #tpu.memory_space<hbm>>
      %dma_start3A_15 = arith.constant 0 : i32
      %dma_start3A_16 = tpu.memref_slice %arg5[%mul3A_12, %dma_start3A_15] : memref<2512x128xi32, #tpu.memory_space<hbm>> -> memref<157x128xi32, #tpu.memory_space<hbm>>
      tpu.enqueue_dma source(%dma_start3A_16 : memref<157x128xi32, #tpu.memory_space<hbm>>) target(%arg8 : memref<157x128xi32, #tpu.memory_space<vmem>>) target_semaphore(%arg21 : memref<!tpu.dma_semaphore, #tpu.memory_space<semaphore_mem>>)
      %mul3A_17 = arith.constant 624 : i32
      %mul3A_18 = arith.muli %arg1, %mul3A_17 : i32
      %mul3A_19 = arith.constant 624 : i32
      %mul3A_20 = arith.muli %arg1, %mul3A_19 : i32
      %dma_start3A_21 = arith.constant 0 : i32
      %dma_start3A_22 = tpu.memref_slice %arg14[%mul3A_20, %dma_start3A_21] : memref<10016x64xf32, #tpu.memory_space<vmem_shared>> -> memref<624x64xf32, #tpu.memory_space<vmem_shared>>
      %dma_start3A_23 = arith.constant 0 : i32
      %dma_start3A_24 = tpu.memref_slice %arg2[%mul3A_18, %dma_start3A_23] : memref<10000x128xf32, #tpu.memory_space<hbm>> -> memref<624x64xf32, #tpu.memory_space<hbm>>
      tpu.enqueue_dma source(%dma_start3A_24 : memref<624x64xf32, #tpu.memory_space<hbm>>) target(%dma_start3A_22 : memref<624x64xf32, #tpu.memory_space<vmem_shared>>) target_semaphore(%arg22 : memref<!tpu.dma_semaphore, #tpu.memory_space<semaphore_mem>>)
      %eq3A_25 = arith.constant 0 : i32
      %eq3A_26 = arith.cmpi eq, %arg1, %eq3A_25 : i32
      %convert_element_type3A_27 = arith.extui %eq3A_26 : i1 to i32
      %cond3A_28 = arith.constant 0 : i32
      %cond3A_29 = arith.cmpi ne, %convert_element_type3A_27, %cond3A_28 : i32
      scf.if %cond3A_29 {
        %dma_start3A_167 = arith.constant 9984 : i32
        %dma_start3A_168 = arith.constant 0 : i32
        %dma_start3A_169 = tpu.memref_slice %arg14[%dma_start3A_167, %dma_start3A_168] : memref<10016x64xf32, #tpu.memory_space<vmem_shared>> -> memref<16x64xf32, #tpu.memory_space<vmem_shared>>
        %dma_start3A_170 = arith.constant 9984 : i32
        %dma_start3A_171 = arith.constant 0 : i32
        %dma_start3A_172 = tpu.memref_slice %arg2[%dma_start3A_170, %dma_start3A_171] : memref<10000x128xf32, #tpu.memory_space<hbm>> -> memref<16x64xf32, #tpu.memory_space<hbm>>
        tpu.enqueue_dma source(%dma_start3A_172 : memref<16x64xf32, #tpu.memory_space<hbm>>) target(%dma_start3A_169 : memref<16x64xf32, #tpu.memory_space<vmem_shared>>) target_semaphore(%arg23 : memref<!tpu.dma_semaphore, #tpu.memory_space<semaphore_mem>>)
      } else {
      }
      %mul3A_30 = arith.constant 157 : i32
      %mul3A_31 = arith.muli %arg1, %mul3A_30 : i32
      %dma_wait3A = arith.constant 0 : i32
      %dma_wait3A_32 = tpu.memref_slice %arg4[%mul3A_31, %dma_wait3A] : memref<2512x128xi32, #tpu.memory_space<hbm>> -> memref<157x128xi32, #tpu.memory_space<hbm>>
      %dma_wait3A_33 = arith.constant 0 : i32
      %dma_wait3A_34 = tpu.memref_slice %arg4[%mul3A_31, %dma_wait3A_33] : memref<2512x128xi32, #tpu.memory_space<hbm>> -> memref<157x128xi32, #tpu.memory_space<hbm>>
      tpu.wait_dma2 semaphore(%arg20 : memref<!tpu.dma_semaphore, #tpu.memory_space<semaphore_mem>>) src(%dma_wait3A_34 : memref<157x128xi32, #tpu.memory_space<hbm>>) dst(%arg7 : memref<157x128xi32, #tpu.memory_space<vmem>>)
      %dma_start3A_35 = arith.constant 0 : i32
      %dma_start3A_36 = arith.constant 0 : i32
      %dma_start3A_37 = tpu.memref_slice %arg7[%dma_start3A_35, %dma_start3A_36] : memref<157x128xi32, #tpu.memory_space<vmem>> -> memref<1x128xi32, #tpu.memory_space<vmem>>
      %dma_start3A_38 = tpu.memref_squeeze %dma_start3A_37 : memref<1x128xi32, #tpu.memory_space<vmem>> -> memref<128xi32, #tpu.memory_space<vmem>>
      %dma_start3A_39 = arith.constant 0 : i32
      %dma_start3A_40 = arith.constant 0 : i32
      %dma_start3A_41 = tpu.memref_slice %arg3[%dma_start3A_39, %dma_start3A_40] : memref<20000x64xf32, #tpu.memory_space<hbm>> -> memref<20000x64xf32, #tpu.memory_space<hbm>>
      tpu.enqueue_indirect_dma source(%dma_start3A_41 : memref<20000x64xf32, #tpu.memory_space<hbm>>) target(%arg9 : memref<128x64xf32, #tpu.memory_space<vmem>>) offsets(%dma_start3A_38 : memref<128xi32, #tpu.memory_space<vmem>>) semaphore(%arg15 : memref<!tpu.dma_semaphore, #tpu.memory_space<semaphore_mem>>)
      %dma_start3A_42 = arith.constant 1 : i32
      %dma_start3A_43 = arith.constant 0 : i32
      %dma_start3A_44 = tpu.memref_slice %arg7[%dma_start3A_42, %dma_start3A_43] : memref<157x128xi32, #tpu.memory_space<vmem>> -> memref<1x128xi32, #tpu.memory_space<vmem>>
      %dma_start3A_45 = tpu.memref_squeeze %dma_start3A_44 : memref<1x128xi32, #tpu.memory_space<vmem>> -> memref<128xi32, #tpu.memory_space<vmem>>
      %dma_start3A_46 = arith.constant 0 : i32
      %dma_start3A_47 = arith.constant 0 : i32
      %dma_start3A_48 = tpu.memref_slice %arg3[%dma_start3A_46, %dma_start3A_47] : memref<20000x64xf32, #tpu.memory_space<hbm>> -> memref<20000x64xf32, #tpu.memory_space<hbm>>
      tpu.enqueue_indirect_dma source(%dma_start3A_48 : memref<20000x64xf32, #tpu.memory_space<hbm>>) target(%arg10 : memref<128x64xf32, #tpu.memory_space<vmem>>) offsets(%dma_start3A_45 : memref<128xi32, #tpu.memory_space<vmem>>) semaphore(%arg16 : memref<!tpu.dma_semaphore, #tpu.memory_space<semaphore_mem>>)
      %dma_start3A_49 = arith.constant 2 : i32
      %dma_start3A_50 = arith.constant 0 : i32
      %dma_start3A_51 = tpu.memref_slice %arg7[%dma_start3A_49, %dma_start3A_50] : memref<157x128xi32, #tpu.memory_space<vmem>> -> memref<1x128xi32, #tpu.memory_space<vmem>>
      %dma_start3A_52 = tpu.memref_squeeze %dma_start3A_51 : memref<1x128xi32, #tpu.memory_space<vmem>> -> memref<128xi32, #tpu.memory_space<vmem>>
      %dma_start3A_53 = arith.constant 0 : i32
      %dma_start3A_54 = arith.constant 0 : i32
      %dma_start3A_55 = tpu.memref_slice %arg3[%dma_start3A_53, %dma_start3A_54] : memref<20000x64xf32, #tpu.memory_space<hbm>> -> memref<20000x64xf32, #tpu.memory_space<hbm>>
      tpu.enqueue_indirect_dma source(%dma_start3A_55 : memref<20000x64xf32, #tpu.memory_space<hbm>>) target(%arg11 : memref<128x64xf32, #tpu.memory_space<vmem>>) offsets(%dma_start3A_52 : memref<128xi32, #tpu.memory_space<vmem>>) semaphore(%arg17 : memref<!tpu.dma_semaphore, #tpu.memory_space<semaphore_mem>>)
      %dma_start3A_56 = arith.constant 3 : i32
      %dma_start3A_57 = arith.constant 0 : i32
      %dma_start3A_58 = tpu.memref_slice %arg7[%dma_start3A_56, %dma_start3A_57] : memref<157x128xi32, #tpu.memory_space<vmem>> -> memref<1x128xi32, #tpu.memory_space<vmem>>
      %dma_start3A_59 = tpu.memref_squeeze %dma_start3A_58 : memref<1x128xi32, #tpu.memory_space<vmem>> -> memref<128xi32, #tpu.memory_space<vmem>>
      %dma_start3A_60 = arith.constant 0 : i32
      %dma_start3A_61 = arith.constant 0 : i32
      %dma_start3A_62 = tpu.memref_slice %arg3[%dma_start3A_60, %dma_start3A_61] : memref<20000x64xf32, #tpu.memory_space<hbm>> -> memref<20000x64xf32, #tpu.memory_space<hbm>>
      tpu.enqueue_indirect_dma source(%dma_start3A_62 : memref<20000x64xf32, #tpu.memory_space<hbm>>) target(%arg12 : memref<128x64xf32, #tpu.memory_space<vmem>>) offsets(%dma_start3A_59 : memref<128xi32, #tpu.memory_space<vmem>>) semaphore(%arg18 : memref<!tpu.dma_semaphore, #tpu.memory_space<semaphore_mem>>)
      %dma_start3A_63 = arith.constant 4 : i32
      %dma_start3A_64 = arith.constant 0 : i32
      %dma_start3A_65 = tpu.memref_slice %arg7[%dma_start3A_63, %dma_start3A_64] : memref<157x128xi32, #tpu.memory_space<vmem>> -> memref<1x128xi32, #tpu.memory_space<vmem>>
      %dma_start3A_66 = tpu.memref_squeeze %dma_start3A_65 : memref<1x128xi32, #tpu.memory_space<vmem>> -> memref<128xi32, #tpu.memory_space<vmem>>
      %dma_start3A_67 = arith.constant 0 : i32
      %dma_start3A_68 = arith.constant 0 : i32
      %dma_start3A_69 = tpu.memref_slice %arg3[%dma_start3A_67, %dma_start3A_68] : memref<20000x64xf32, #tpu.memory_space<hbm>> -> memref<20000x64xf32, #tpu.memory_space<hbm>>
      tpu.enqueue_indirect_dma source(%dma_start3A_69 : memref<20000x64xf32, #tpu.memory_space<hbm>>) target(%arg13 : memref<128x64xf32, #tpu.memory_space<vmem>>) offsets(%dma_start3A_66 : memref<128xi32, #tpu.memory_space<vmem>>) semaphore(%arg19 : memref<!tpu.dma_semaphore, #tpu.memory_space<semaphore_mem>>)
      %mul3A_70 = arith.constant 157 : i32
      %mul3A_71 = arith.muli %arg1, %mul3A_70 : i32
      %dma_wait3A_72 = arith.constant 0 : i32
      %dma_wait3A_73 = tpu.memref_slice %arg5[%mul3A_71, %dma_wait3A_72] : memref<2512x128xi32, #tpu.memory_space<hbm>> -> memref<157x128xi32, #tpu.memory_space<hbm>>
      %dma_wait3A_74 = arith.constant 0 : i32
      %dma_wait3A_75 = tpu.memref_slice %arg5[%mul3A_71, %dma_wait3A_74] : memref<2512x128xi32, #tpu.memory_space<hbm>> -> memref<157x128xi32, #tpu.memory_space<hbm>>
      tpu.wait_dma2 semaphore(%arg21 : memref<!tpu.dma_semaphore, #tpu.memory_space<semaphore_mem>>) src(%dma_wait3A_75 : memref<157x128xi32, #tpu.memory_space<hbm>>) dst(%arg8 : memref<157x128xi32, #tpu.memory_space<vmem>>)
      %mul3A_76 = arith.constant 624 : i32
      %mul3A_77 = arith.muli %arg1, %mul3A_76 : i32
      %mul3A_78 = arith.constant 624 : i32
      %mul3A_79 = arith.muli %arg1, %mul3A_78 : i32
      %dma_wait3A_80 = arith.constant 0 : i32
      %dma_wait3A_81 = tpu.memref_slice %arg14[%mul3A_79, %dma_wait3A_80] : memref<10016x64xf32, #tpu.memory_space<vmem_shared>> -> memref<624x64xf32, #tpu.memory_space<vmem_shared>>
      %dma_wait3A_82 = arith.constant 0 : i32
      %dma_wait3A_83 = tpu.memref_slice %arg2[%mul3A_77, %dma_wait3A_82] : memref<10000x128xf32, #tpu.memory_space<hbm>> -> memref<624x64xf32, #tpu.memory_space<hbm>>
      tpu.wait_dma2 semaphore(%arg22 : memref<!tpu.dma_semaphore, #tpu.memory_space<semaphore_mem>>) src(%dma_wait3A_83 : memref<624x64xf32, #tpu.memory_space<hbm>>) dst(%dma_wait3A_81 : memref<624x64xf32, #tpu.memory_space<vmem_shared>>)
      %eq3A_84 = arith.constant 0 : i32
      %eq3A_85 = arith.cmpi eq, %arg1, %eq3A_84 : i32
      %convert_element_type3A_86 = arith.extui %eq3A_85 : i1 to i32
      %cond3A_87 = arith.constant 0 : i32
      %cond3A_88 = arith.cmpi ne, %convert_element_type3A_86, %cond3A_87 : i32
      scf.if %cond3A_88 {
        %dma_wait3A_167 = arith.constant 9984 : i32
        %dma_wait3A_168 = arith.constant 0 : i32
        %dma_wait3A_169 = tpu.memref_slice %arg14[%dma_wait3A_167, %dma_wait3A_168] : memref<10016x64xf32, #tpu.memory_space<vmem_shared>> -> memref<16x64xf32, #tpu.memory_space<vmem_shared>>
        %dma_wait3A_170 = arith.constant 9984 : i32
        %dma_wait3A_171 = arith.constant 0 : i32
        %dma_wait3A_172 = tpu.memref_slice %arg2[%dma_wait3A_170, %dma_wait3A_171] : memref<10000x128xf32, #tpu.memory_space<hbm>> -> memref<16x64xf32, #tpu.memory_space<hbm>>
        tpu.wait_dma2 semaphore(%arg23 : memref<!tpu.dma_semaphore, #tpu.memory_space<semaphore_mem>>) src(%dma_wait3A_172 : memref<16x64xf32, #tpu.memory_space<hbm>>) dst(%dma_wait3A_169 : memref<16x64xf32, #tpu.memory_space<vmem_shared>>)
      } else {
      }
      %barrier3A = arith.constant 0 : index
      tpu.barrier barrier_id(%barrier3A)
      %scan3A = arith.constant 0 : i32
      %scan3A_89 = arith.constant 0 : i32
      %scan3A_90 = arith.constant 31 : i32
      %scan3A_91 = arith.addi %scan3A_89, %scan3A_90 : i32
      %scan3A_92 = arith.constant 1 : i32
      scf.for %scan3A_167 = %scan3A_89 to %scan3A_91 step %scan3A_92  : i32 {
        %mul3A_168 = arith.constant 5 : i32
        %mul3A_169 = arith.muli %mul3A_168, %scan3A_167 : i32
        %add3A = arith.constant 0 : i32
        %add3A_170 = arith.addi %mul3A_169, %add3A : i32
        %dma_wait3A_171 = arith.constant 0 : i32
        %dma_wait3A_172 = tpu.memref_slice %arg7[%add3A_170, %dma_wait3A_171] : memref<157x128xi32, #tpu.memory_space<vmem>> -> memref<1x128xi32, #tpu.memory_space<vmem>>
        %dma_wait3A_173 = tpu.memref_squeeze %dma_wait3A_172 : memref<1x128xi32, #tpu.memory_space<vmem>> -> memref<128xi32, #tpu.memory_space<vmem>>
        %dma_wait3A_174 = arith.constant 0 : i32
        %dma_wait3A_175 = arith.constant 0 : i32
        %dma_wait3A_176 = tpu.memref_slice %arg3[%dma_wait3A_174, %dma_wait3A_175] : memref<20000x64xf32, #tpu.memory_space<hbm>> -> memref<20000x64xf32, #tpu.memory_space<hbm>>
        tpu.wait_indirect_dma semaphore(%arg15 : memref<!tpu.dma_semaphore, #tpu.memory_space<semaphore_mem>>) src(%dma_wait3A_176 : memref<20000x64xf32, #tpu.memory_space<hbm>>) dst(%arg9 : memref<128x64xf32, #tpu.memory_space<vmem>>)
        %add3A_177 = arith.constant 0 : i32
        %add3A_178 = arith.addi %mul3A_169, %add3A_177 : i32
        %dma_start3A_179 = arith.constant 0 : i32
        %dma_start3A_180 = tpu.memref_slice %arg8[%add3A_178, %dma_start3A_179] : memref<157x128xi32, #tpu.memory_space<vmem>> -> memref<1x128xi32, #tpu.memory_space<vmem>>
        %dma_start3A_181 = tpu.memref_squeeze %dma_start3A_180 : memref<1x128xi32, #tpu.memory_space<vmem>> -> memref<128xi32, #tpu.memory_space<vmem>>
        %dma_start3A_182 = arith.constant 0 : i32
        %dma_start3A_183 = arith.constant 0 : i32
        %dma_start3A_184 = tpu.memref_slice %arg14[%dma_start3A_182, %dma_start3A_183] : memref<10016x64xf32, #tpu.memory_space<vmem_shared>> -> memref<10016x64xf32, #tpu.memory_space<vmem_shared>>
        tpu.enqueue_indirect_dma source(%arg9 : memref<128x64xf32, #tpu.memory_space<vmem>>) target(%dma_start3A_184 : memref<10016x64xf32, #tpu.memory_space<vmem_shared>>) offsets(%dma_start3A_181 : memref<128xi32, #tpu.memory_space<vmem>>) semaphore(%arg20 : memref<!tpu.dma_semaphore, #tpu.memory_space<semaphore_mem>>) {add = true}
        %add3A_185 = arith.constant 1 : i32
        %add3A_186 = arith.addi %mul3A_169, %add3A_185 : i32
        %dma_wait3A_187 = arith.constant 0 : i32
        %dma_wait3A_188 = tpu.memref_slice %arg7[%add3A_186, %dma_wait3A_187] : memref<157x128xi32, #tpu.memory_space<vmem>> -> memref<1x128xi32, #tpu.memory_space<vmem>>
        %dma_wait3A_189 = tpu.memref_squeeze %dma_wait3A_188 : memref<1x128xi32, #tpu.memory_space<vmem>> -> memref<128xi32, #tpu.memory_space<vmem>>
        %dma_wait3A_190 = arith.constant 0 : i32
        %dma_wait3A_191 = arith.constant 0 : i32
        %dma_wait3A_192 = tpu.memref_slice %arg3[%dma_wait3A_190, %dma_wait3A_191] : memref<20000x64xf32, #tpu.memory_space<hbm>> -> memref<20000x64xf32, #tpu.memory_space<hbm>>
        tpu.wait_indirect_dma semaphore(%arg16 : memref<!tpu.dma_semaphore, #tpu.memory_space<semaphore_mem>>) src(%dma_wait3A_192 : memref<20000x64xf32, #tpu.memory_space<hbm>>) dst(%arg10 : memref<128x64xf32, #tpu.memory_space<vmem>>)
        %add3A_193 = arith.constant 1 : i32
        %add3A_194 = arith.addi %mul3A_169, %add3A_193 : i32
        %dma_start3A_195 = arith.constant 0 : i32
        %dma_start3A_196 = tpu.memref_slice %arg8[%add3A_194, %dma_start3A_195] : memref<157x128xi32, #tpu.memory_space<vmem>> -> memref<1x128xi32, #tpu.memory_space<vmem>>
        %dma_start3A_197 = tpu.memref_squeeze %dma_start3A_196 : memref<1x128xi32, #tpu.memory_space<vmem>> -> memref<128xi32, #tpu.memory_space<vmem>>
        %dma_start3A_198 = arith.constant 0 : i32
        %dma_start3A_199 = arith.constant 0 : i32
        %dma_start3A_200 = tpu.memref_slice %arg14[%dma_start3A_198, %dma_start3A_199] : memref<10016x64xf32, #tpu.memory_space<vmem_shared>> -> memref<10016x64xf32, #tpu.memory_space<vmem_shared>>
        tpu.enqueue_indirect_dma source(%arg10 : memref<128x64xf32, #tpu.memory_space<vmem>>) target(%dma_start3A_200 : memref<10016x64xf32, #tpu.memory_space<vmem_shared>>) offsets(%dma_start3A_197 : memref<128xi32, #tpu.memory_space<vmem>>) semaphore(%arg21 : memref<!tpu.dma_semaphore, #tpu.memory_space<semaphore_mem>>) {add = true}
        %add3A_201 = arith.constant 2 : i32
        %add3A_202 = arith.addi %mul3A_169, %add3A_201 : i32
        %dma_wait3A_203 = arith.constant 0 : i32
        %dma_wait3A_204 = tpu.memref_slice %arg7[%add3A_202, %dma_wait3A_203] : memref<157x128xi32, #tpu.memory_space<vmem>> -> memref<1x128xi32, #tpu.memory_space<vmem>>
        %dma_wait3A_205 = tpu.memref_squeeze %dma_wait3A_204 : memref<1x128xi32, #tpu.memory_space<vmem>> -> memref<128xi32, #tpu.memory_space<vmem>>
        %dma_wait3A_206 = arith.constant 0 : i32
        %dma_wait3A_207 = arith.constant 0 : i32
        %dma_wait3A_208 = tpu.memref_slice %arg3[%dma_wait3A_206, %dma_wait3A_207] : memref<20000x64xf32, #tpu.memory_space<hbm>> -> memref<20000x64xf32, #tpu.memory_space<hbm>>
        tpu.wait_indirect_dma semaphore(%arg17 : memref<!tpu.dma_semaphore, #tpu.memory_space<semaphore_mem>>) src(%dma_wait3A_208 : memref<20000x64xf32, #tpu.memory_space<hbm>>) dst(%arg11 : memref<128x64xf32, #tpu.memory_space<vmem>>)
        %add3A_209 = arith.constant 2 : i32
        %add3A_210 = arith.addi %mul3A_169, %add3A_209 : i32
        %dma_start3A_211 = arith.constant 0 : i32
        %dma_start3A_212 = tpu.memref_slice %arg8[%add3A_210, %dma_start3A_211] : memref<157x128xi32, #tpu.memory_space<vmem>> -> memref<1x128xi32, #tpu.memory_space<vmem>>
        %dma_start3A_213 = tpu.memref_squeeze %dma_start3A_212 : memref<1x128xi32, #tpu.memory_space<vmem>> -> memref<128xi32, #tpu.memory_space<vmem>>
        %dma_start3A_214 = arith.constant 0 : i32
        %dma_start3A_215 = arith.constant 0 : i32
        %dma_start3A_216 = tpu.memref_slice %arg14[%dma_start3A_214, %dma_start3A_215] : memref<10016x64xf32, #tpu.memory_space<vmem_shared>> -> memref<10016x64xf32, #tpu.memory_space<vmem_shared>>
        tpu.enqueue_indirect_dma source(%arg11 : memref<128x64xf32, #tpu.memory_space<vmem>>) target(%dma_start3A_216 : memref<10016x64xf32, #tpu.memory_space<vmem_shared>>) offsets(%dma_start3A_213 : memref<128xi32, #tpu.memory_space<vmem>>) semaphore(%arg22 : memref<!tpu.dma_semaphore, #tpu.memory_space<semaphore_mem>>) {add = true}
        %add3A_217 = arith.constant 3 : i32
        %add3A_218 = arith.addi %mul3A_169, %add3A_217 : i32
        %dma_wait3A_219 = arith.constant 0 : i32
        %dma_wait3A_220 = tpu.memref_slice %arg7[%add3A_218, %dma_wait3A_219] : memref<157x128xi32, #tpu.memory_space<vmem>> -> memref<1x128xi32, #tpu.memory_space<vmem>>
        %dma_wait3A_221 = tpu.memref_squeeze %dma_wait3A_220 : memref<1x128xi32, #tpu.memory_space<vmem>> -> memref<128xi32, #tpu.memory_space<vmem>>
        %dma_wait3A_222 = arith.constant 0 : i32
        %dma_wait3A_223 = arith.constant 0 : i32
        %dma_wait3A_224 = tpu.memref_slice %arg3[%dma_wait3A_222, %dma_wait3A_223] : memref<20000x64xf32, #tpu.memory_space<hbm>> -> memref<20000x64xf32, #tpu.memory_space<hbm>>
        tpu.wait_indirect_dma semaphore(%arg18 : memref<!tpu.dma_semaphore, #tpu.memory_space<semaphore_mem>>) src(%dma_wait3A_224 : memref<20000x64xf32, #tpu.memory_space<hbm>>) dst(%arg12 : memref<128x64xf32, #tpu.memory_space<vmem>>)
        %add3A_225 = arith.constant 3 : i32
        %add3A_226 = arith.addi %mul3A_169, %add3A_225 : i32
        %dma_start3A_227 = arith.constant 0 : i32
        %dma_start3A_228 = tpu.memref_slice %arg8[%add3A_226, %dma_start3A_227] : memref<157x128xi32, #tpu.memory_space<vmem>> -> memref<1x128xi32, #tpu.memory_space<vmem>>
        %dma_start3A_229 = tpu.memref_squeeze %dma_start3A_228 : memref<1x128xi32, #tpu.memory_space<vmem>> -> memref<128xi32, #tpu.memory_space<vmem>>
        %dma_start3A_230 = arith.constant 0 : i32
        %dma_start3A_231 = arith.constant 0 : i32
        %dma_start3A_232 = tpu.memref_slice %arg14[%dma_start3A_230, %dma_start3A_231] : memref<10016x64xf32, #tpu.memory_space<vmem_shared>> -> memref<10016x64xf32, #tpu.memory_space<vmem_shared>>
        tpu.enqueue_indirect_dma source(%arg12 : memref<128x64xf32, #tpu.memory_space<vmem>>) target(%dma_start3A_232 : memref<10016x64xf32, #tpu.memory_space<vmem_shared>>) offsets(%dma_start3A_229 : memref<128xi32, #tpu.memory_space<vmem>>) semaphore(%arg23 : memref<!tpu.dma_semaphore, #tpu.memory_space<semaphore_mem>>) {add = true}
        %add3A_233 = arith.constant 4 : i32
        %add3A_234 = arith.addi %mul3A_169, %add3A_233 : i32
        %dma_wait3A_235 = arith.constant 0 : i32
        %dma_wait3A_236 = tpu.memref_slice %arg7[%add3A_234, %dma_wait3A_235] : memref<157x128xi32, #tpu.memory_space<vmem>> -> memref<1x128xi32, #tpu.memory_space<vmem>>
        %dma_wait3A_237 = tpu.memref_squeeze %dma_wait3A_236 : memref<1x128xi32, #tpu.memory_space<vmem>> -> memref<128xi32, #tpu.memory_space<vmem>>
        %dma_wait3A_238 = arith.constant 0 : i32
        %dma_wait3A_239 = arith.constant 0 : i32
        %dma_wait3A_240 = tpu.memref_slice %arg3[%dma_wait3A_238, %dma_wait3A_239] : memref<20000x64xf32, #tpu.memory_space<hbm>> -> memref<20000x64xf32, #tpu.memory_space<hbm>>
        tpu.wait_indirect_dma semaphore(%arg19 : memref<!tpu.dma_semaphore, #tpu.memory_space<semaphore_mem>>) src(%dma_wait3A_240 : memref<20000x64xf32, #tpu.memory_space<hbm>>) dst(%arg13 : memref<128x64xf32, #tpu.memory_space<vmem>>)
        %add3A_241 = arith.constant 4 : i32
        %add3A_242 = arith.addi %mul3A_169, %add3A_241 : i32
        %dma_start3A_243 = arith.constant 0 : i32
        %dma_start3A_244 = tpu.memref_slice %arg8[%add3A_242, %dma_start3A_243] : memref<157x128xi32, #tpu.memory_space<vmem>> -> memref<1x128xi32, #tpu.memory_space<vmem>>
        %dma_start3A_245 = tpu.memref_squeeze %dma_start3A_244 : memref<1x128xi32, #tpu.memory_space<vmem>> -> memref<128xi32, #tpu.memory_space<vmem>>
        %dma_start3A_246 = arith.constant 0 : i32
        %dma_start3A_247 = arith.constant 0 : i32
        %dma_start3A_248 = tpu.memref_slice %arg14[%dma_start3A_246, %dma_start3A_247] : memref<10016x64xf32, #tpu.memory_space<vmem_shared>> -> memref<10016x64xf32, #tpu.memory_space<vmem_shared>>
        tpu.enqueue_indirect_dma source(%arg13 : memref<128x64xf32, #tpu.memory_space<vmem>>) target(%dma_start3A_248 : memref<10016x64xf32, #tpu.memory_space<vmem_shared>>) offsets(%dma_start3A_245 : memref<128xi32, #tpu.memory_space<vmem>>) semaphore(%arg24 : memref<!tpu.dma_semaphore, #tpu.memory_space<semaphore_mem>>) {add = true}
        %add3A_249 = arith.constant 5 : i32
        %add3A_250 = arith.addi %mul3A_169, %add3A_249 : i32
        %add3A_251 = arith.constant 0 : i32
        %add3A_252 = arith.addi %add3A_250, %add3A_251 : i32
        %lt3A = arith.constant 157 : i32
        %lt3A_253 = arith.cmpi slt, %add3A_252, %lt3A : i32
        %convert_element_type3A_254 = arith.extui %lt3A_253 : i1 to i32
        %cond3A_255 = arith.constant 0 : i32
        %cond3A_256 = arith.cmpi ne, %convert_element_type3A_254, %cond3A_255 : i32
        scf.if %cond3A_256 {
          %add3A_293 = arith.constant 0 : i32
          %add3A_294 = arith.addi %mul3A_169, %add3A_293 : i32
          %dma_wait3A_295 = arith.constant 0 : i32
          %dma_wait3A_296 = tpu.memref_slice %arg8[%add3A_294, %dma_wait3A_295] : memref<157x128xi32, #tpu.memory_space<vmem>> -> memref<1x128xi32, #tpu.memory_space<vmem>>
          %dma_wait3A_297 = tpu.memref_squeeze %dma_wait3A_296 : memref<1x128xi32, #tpu.memory_space<vmem>> -> memref<128xi32, #tpu.memory_space<vmem>>
          %dma_wait3A_298 = arith.constant 0 : i32
          %dma_wait3A_299 = arith.constant 0 : i32
          %dma_wait3A_300 = tpu.memref_slice %arg14[%dma_wait3A_298, %dma_wait3A_299] : memref<10016x64xf32, #tpu.memory_space<vmem_shared>> -> memref<10016x64xf32, #tpu.memory_space<vmem_shared>>
          tpu.wait_indirect_dma semaphore(%arg20 : memref<!tpu.dma_semaphore, #tpu.memory_space<semaphore_mem>>) src(%arg9 : memref<128x64xf32, #tpu.memory_space<vmem>>) dst(%dma_wait3A_300 : memref<10016x64xf32, #tpu.memory_space<vmem_shared>>)
          %add3A_301 = arith.constant 5 : i32
          %add3A_302 = arith.addi %mul3A_169, %add3A_301 : i32
          %add3A_303 = arith.constant 0 : i32
          %add3A_304 = arith.addi %add3A_302, %add3A_303 : i32
          %dma_start3A_305 = arith.constant 0 : i32
          %dma_start3A_306 = tpu.memref_slice %arg7[%add3A_304, %dma_start3A_305] : memref<157x128xi32, #tpu.memory_space<vmem>> -> memref<1x128xi32, #tpu.memory_space<vmem>>
          %dma_start3A_307 = tpu.memref_squeeze %dma_start3A_306 : memref<1x128xi32, #tpu.memory_space<vmem>> -> memref<128xi32, #tpu.memory_space<vmem>>
          %dma_start3A_308 = arith.constant 0 : i32
          %dma_start3A_309 = arith.constant 0 : i32
          %dma_start3A_310 = tpu.memref_slice %arg3[%dma_start3A_308, %dma_start3A_309] : memref<20000x64xf32, #tpu.memory_space<hbm>> -> memref<20000x64xf32, #tpu.memory_space<hbm>>
          tpu.enqueue_indirect_dma source(%dma_start3A_310 : memref<20000x64xf32, #tpu.memory_space<hbm>>) target(%arg9 : memref<128x64xf32, #tpu.memory_space<vmem>>) offsets(%dma_start3A_307 : memref<128xi32, #tpu.memory_space<vmem>>) semaphore(%arg15 : memref<!tpu.dma_semaphore, #tpu.memory_space<semaphore_mem>>)
        } else {
        }
        %add3A_257 = arith.constant 5 : i32
        %add3A_258 = arith.addi %mul3A_169, %add3A_257 : i32
        %add3A_259 = arith.constant 1 : i32
        %add3A_260 = arith.addi %add3A_258, %add3A_259 : i32
        %lt3A_261 = arith.constant 157 : i32
        %lt3A_262 = arith.cmpi slt, %add3A_260, %lt3A_261 : i32
        %convert_element_type3A_263 = arith.extui %lt3A_262 : i1 to i32
        %cond3A_264 = arith.constant 0 : i32
        %cond3A_265 = arith.cmpi ne, %convert_element_type3A_263, %cond3A_264 : i32
        scf.if %cond3A_265 {
          %add3A_293 = arith.constant 1 : i32
          %add3A_294 = arith.addi %mul3A_169, %add3A_293 : i32
          %dma_wait3A_295 = arith.constant 0 : i32
          %dma_wait3A_296 = tpu.memref_slice %arg8[%add3A_294, %dma_wait3A_295] : memref<157x128xi32, #tpu.memory_space<vmem>> -> memref<1x128xi32, #tpu.memory_space<vmem>>
          %dma_wait3A_297 = tpu.memref_squeeze %dma_wait3A_296 : memref<1x128xi32, #tpu.memory_space<vmem>> -> memref<128xi32, #tpu.memory_space<vmem>>
          %dma_wait3A_298 = arith.constant 0 : i32
          %dma_wait3A_299 = arith.constant 0 : i32
          %dma_wait3A_300 = tpu.memref_slice %arg14[%dma_wait3A_298, %dma_wait3A_299] : memref<10016x64xf32, #tpu.memory_space<vmem_shared>> -> memref<10016x64xf32, #tpu.memory_space<vmem_shared>>
          tpu.wait_indirect_dma semaphore(%arg21 : memref<!tpu.dma_semaphore, #tpu.memory_space<semaphore_mem>>) src(%arg10 : memref<128x64xf32, #tpu.memory_space<vmem>>) dst(%dma_wait3A_300 : memref<10016x64xf32, #tpu.memory_space<vmem_shared>>)
          %add3A_301 = arith.constant 5 : i32
          %add3A_302 = arith.addi %mul3A_169, %add3A_301 : i32
          %add3A_303 = arith.constant 1 : i32
          %add3A_304 = arith.addi %add3A_302, %add3A_303 : i32
          %dma_start3A_305 = arith.constant 0 : i32
          %dma_start3A_306 = tpu.memref_slice %arg7[%add3A_304, %dma_start3A_305] : memref<157x128xi32, #tpu.memory_space<vmem>> -> memref<1x128xi32, #tpu.memory_space<vmem>>
          %dma_start3A_307 = tpu.memref_squeeze %dma_start3A_306 : memref<1x128xi32, #tpu.memory_space<vmem>> -> memref<128xi32, #tpu.memory_space<vmem>>
          %dma_start3A_308 = arith.constant 0 : i32
          %dma_start3A_309 = arith.constant 0 : i32
          %dma_start3A_310 = tpu.memref_slice %arg3[%dma_start3A_308, %dma_start3A_309] : memref<20000x64xf32, #tpu.memory_space<hbm>> -> memref<20000x64xf32, #tpu.memory_space<hbm>>
          tpu.enqueue_indirect_dma source(%dma_start3A_310 : memref<20000x64xf32, #tpu.memory_space<hbm>>) target(%arg10 : memref<128x64xf32, #tpu.memory_space<vmem>>) offsets(%dma_start3A_307 : memref<128xi32, #tpu.memory_space<vmem>>) semaphore(%arg16 : memref<!tpu.dma_semaphore, #tpu.memory_space<semaphore_mem>>)
        } else {
        }
        %add3A_266 = arith.constant 5 : i32
        %add3A_267 = arith.addi %mul3A_169, %add3A_266 : i32
        %add3A_268 = arith.constant 2 : i32
        %add3A_269 = arith.addi %add3A_267, %add3A_268 : i32
        %lt3A_270 = arith.constant 157 : i32
        %lt3A_271 = arith.cmpi slt, %add3A_269, %lt3A_270 : i32
        %convert_element_type3A_272 = arith.extui %lt3A_271 : i1 to i32
        %cond3A_273 = arith.constant 0 : i32
        %cond3A_274 = arith.cmpi ne, %convert_element_type3A_272, %cond3A_273 : i32
        scf.if %cond3A_274 {
          %add3A_293 = arith.constant 2 : i32
          %add3A_294 = arith.addi %mul3A_169, %add3A_293 : i32
          %dma_wait3A_295 = arith.constant 0 : i32
          %dma_wait3A_296 = tpu.memref_slice %arg8[%add3A_294, %dma_wait3A_295] : memref<157x128xi32, #tpu.memory_space<vmem>> -> memref<1x128xi32, #tpu.memory_space<vmem>>
          %dma_wait3A_297 = tpu.memref_squeeze %dma_wait3A_296 : memref<1x128xi32, #tpu.memory_space<vmem>> -> memref<128xi32, #tpu.memory_space<vmem>>
          %dma_wait3A_298 = arith.constant 0 : i32
          %dma_wait3A_299 = arith.constant 0 : i32
          %dma_wait3A_300 = tpu.memref_slice %arg14[%dma_wait3A_298, %dma_wait3A_299] : memref<10016x64xf32, #tpu.memory_space<vmem_shared>> -> memref<10016x64xf32, #tpu.memory_space<vmem_shared>>
          tpu.wait_indirect_dma semaphore(%arg22 : memref<!tpu.dma_semaphore, #tpu.memory_space<semaphore_mem>>) src(%arg11 : memref<128x64xf32, #tpu.memory_space<vmem>>) dst(%dma_wait3A_300 : memref<10016x64xf32, #tpu.memory_space<vmem_shared>>)
          %add3A_301 = arith.constant 5 : i32
          %add3A_302 = arith.addi %mul3A_169, %add3A_301 : i32
          %add3A_303 = arith.constant 2 : i32
          %add3A_304 = arith.addi %add3A_302, %add3A_303 : i32
          %dma_start3A_305 = arith.constant 0 : i32
          %dma_start3A_306 = tpu.memref_slice %arg7[%add3A_304, %dma_start3A_305] : memref<157x128xi32, #tpu.memory_space<vmem>> -> memref<1x128xi32, #tpu.memory_space<vmem>>
          %dma_start3A_307 = tpu.memref_squeeze %dma_start3A_306 : memref<1x128xi32, #tpu.memory_space<vmem>> -> memref<128xi32, #tpu.memory_space<vmem>>
          %dma_start3A_308 = arith.constant 0 : i32
          %dma_start3A_309 = arith.constant 0 : i32
          %dma_start3A_310 = tpu.memref_slice %arg3[%dma_start3A_308, %dma_start3A_309] : memref<20000x64xf32, #tpu.memory_space<hbm>> -> memref<20000x64xf32, #tpu.memory_space<hbm>>
          tpu.enqueue_indirect_dma source(%dma_start3A_310 : memref<20000x64xf32, #tpu.memory_space<hbm>>) target(%arg11 : memref<128x64xf32, #tpu.memory_space<vmem>>) offsets(%dma_start3A_307 : memref<128xi32, #tpu.memory_space<vmem>>) semaphore(%arg17 : memref<!tpu.dma_semaphore, #tpu.memory_space<semaphore_mem>>)
        } else {
        }
        %add3A_275 = arith.constant 5 : i32
        %add3A_276 = arith.addi %mul3A_169, %add3A_275 : i32
        %add3A_277 = arith.constant 3 : i32
        %add3A_278 = arith.addi %add3A_276, %add3A_277 : i32
        %lt3A_279 = arith.constant 157 : i32
        %lt3A_280 = arith.cmpi slt, %add3A_278, %lt3A_279 : i32
        %convert_element_type3A_281 = arith.extui %lt3A_280 : i1 to i32
        %cond3A_282 = arith.constant 0 : i32
        %cond3A_283 = arith.cmpi ne, %convert_element_type3A_281, %cond3A_282 : i32
        scf.if %cond3A_283 {
          %add3A_293 = arith.constant 3 : i32
          %add3A_294 = arith.addi %mul3A_169, %add3A_293 : i32
          %dma_wait3A_295 = arith.constant 0 : i32
          %dma_wait3A_296 = tpu.memref_slice %arg8[%add3A_294, %dma_wait3A_295] : memref<157x128xi32, #tpu.memory_space<vmem>> -> memref<1x128xi32, #tpu.memory_space<vmem>>
          %dma_wait3A_297 = tpu.memref_squeeze %dma_wait3A_296 : memref<1x128xi32, #tpu.memory_space<vmem>> -> memref<128xi32, #tpu.memory_space<vmem>>
          %dma_wait3A_298 = arith.constant 0 : i32
          %dma_wait3A_299 = arith.constant 0 : i32
          %dma_wait3A_300 = tpu.memref_slice %arg14[%dma_wait3A_298, %dma_wait3A_299] : memref<10016x64xf32, #tpu.memory_space<vmem_shared>> -> memref<10016x64xf32, #tpu.memory_space<vmem_shared>>
          tpu.wait_indirect_dma semaphore(%arg23 : memref<!tpu.dma_semaphore, #tpu.memory_space<semaphore_mem>>) src(%arg12 : memref<128x64xf32, #tpu.memory_space<vmem>>) dst(%dma_wait3A_300 : memref<10016x64xf32, #tpu.memory_space<vmem_shared>>)
          %add3A_301 = arith.constant 5 : i32
          %add3A_302 = arith.addi %mul3A_169, %add3A_301 : i32
          %add3A_303 = arith.constant 3 : i32
          %add3A_304 = arith.addi %add3A_302, %add3A_303 : i32
          %dma_start3A_305 = arith.constant 0 : i32
          %dma_start3A_306 = tpu.memref_slice %arg7[%add3A_304, %dma_start3A_305] : memref<157x128xi32, #tpu.memory_space<vmem>> -> memref<1x128xi32, #tpu.memory_space<vmem>>
          %dma_start3A_307 = tpu.memref_squeeze %dma_start3A_306 : memref<1x128xi32, #tpu.memory_space<vmem>> -> memref<128xi32, #tpu.memory_space<vmem>>
          %dma_start3A_308 = arith.constant 0 : i32
          %dma_start3A_309 = arith.constant 0 : i32
          %dma_start3A_310 = tpu.memref_slice %arg3[%dma_start3A_308, %dma_start3A_309] : memref<20000x64xf32, #tpu.memory_space<hbm>> -> memref<20000x64xf32, #tpu.memory_space<hbm>>
          tpu.enqueue_indirect_dma source(%dma_start3A_310 : memref<20000x64xf32, #tpu.memory_space<hbm>>) target(%arg12 : memref<128x64xf32, #tpu.memory_space<vmem>>) offsets(%dma_start3A_307 : memref<128xi32, #tpu.memory_space<vmem>>) semaphore(%arg18 : memref<!tpu.dma_semaphore, #tpu.memory_space<semaphore_mem>>)
        } else {
        }
        %add3A_284 = arith.constant 5 : i32
        %add3A_285 = arith.addi %mul3A_169, %add3A_284 : i32
        %add3A_286 = arith.constant 4 : i32
        %add3A_287 = arith.addi %add3A_285, %add3A_286 : i32
        %lt3A_288 = arith.constant 157 : i32
        %lt3A_289 = arith.cmpi slt, %add3A_287, %lt3A_288 : i32
        %convert_element_type3A_290 = arith.extui %lt3A_289 : i1 to i32
        %cond3A_291 = arith.constant 0 : i32
        %cond3A_292 = arith.cmpi ne, %convert_element_type3A_290, %cond3A_291 : i32
        scf.if %cond3A_292 {
          %add3A_293 = arith.constant 4 : i32
          %add3A_294 = arith.addi %mul3A_169, %add3A_293 : i32
          %dma_wait3A_295 = arith.constant 0 : i32
          %dma_wait3A_296 = tpu.memref_slice %arg8[%add3A_294, %dma_wait3A_295] : memref<157x128xi32, #tpu.memory_space<vmem>> -> memref<1x128xi32, #tpu.memory_space<vmem>>
          %dma_wait3A_297 = tpu.memref_squeeze %dma_wait3A_296 : memref<1x128xi32, #tpu.memory_space<vmem>> -> memref<128xi32, #tpu.memory_space<vmem>>
          %dma_wait3A_298 = arith.constant 0 : i32
          %dma_wait3A_299 = arith.constant 0 : i32
          %dma_wait3A_300 = tpu.memref_slice %arg14[%dma_wait3A_298, %dma_wait3A_299] : memref<10016x64xf32, #tpu.memory_space<vmem_shared>> -> memref<10016x64xf32, #tpu.memory_space<vmem_shared>>
          tpu.wait_indirect_dma semaphore(%arg24 : memref<!tpu.dma_semaphore, #tpu.memory_space<semaphore_mem>>) src(%arg13 : memref<128x64xf32, #tpu.memory_space<vmem>>) dst(%dma_wait3A_300 : memref<10016x64xf32, #tpu.memory_space<vmem_shared>>)
          %add3A_301 = arith.constant 5 : i32
          %add3A_302 = arith.addi %mul3A_169, %add3A_301 : i32
          %add3A_303 = arith.constant 4 : i32
          %add3A_304 = arith.addi %add3A_302, %add3A_303 : i32
          %dma_start3A_305 = arith.constant 0 : i32
          %dma_start3A_306 = tpu.memref_slice %arg7[%add3A_304, %dma_start3A_305] : memref<157x128xi32, #tpu.memory_space<vmem>> -> memref<1x128xi32, #tpu.memory_space<vmem>>
          %dma_start3A_307 = tpu.memref_squeeze %dma_start3A_306 : memref<1x128xi32, #tpu.memory_space<vmem>> -> memref<128xi32, #tpu.memory_space<vmem>>
          %dma_start3A_308 = arith.constant 0 : i32
          %dma_start3A_309 = arith.constant 0 : i32
          %dma_start3A_310 = tpu.memref_slice %arg3[%dma_start3A_308, %dma_start3A_309] : memref<20000x64xf32, #tpu.memory_space<hbm>> -> memref<20000x64xf32, #tpu.memory_space<hbm>>
          tpu.enqueue_indirect_dma source(%dma_start3A_310 : memref<20000x64xf32, #tpu.memory_space<hbm>>) target(%arg13 : memref<128x64xf32, #tpu.memory_space<vmem>>) offsets(%dma_start3A_307 : memref<128xi32, #tpu.memory_space<vmem>>) semaphore(%arg19 : memref<!tpu.dma_semaphore, #tpu.memory_space<semaphore_mem>>)
        } else {
        }
      }
      %scan3A_93 = arith.constant 31 : i32
      %dma_wait3A_94 = arith.constant 155 : i32
      %dma_wait3A_95 = arith.constant 0 : i32
      %dma_wait3A_96 = tpu.memref_slice %arg7[%dma_wait3A_94, %dma_wait3A_95] : memref<157x128xi32, #tpu.memory_space<vmem>> -> memref<1x128xi32, #tpu.memory_space<vmem>>
      %dma_wait3A_97 = tpu.memref_squeeze %dma_wait3A_96 : memref<1x128xi32, #tpu.memory_space<vmem>> -> memref<128xi32, #tpu.memory_space<vmem>>
      %dma_wait3A_98 = arith.constant 0 : i32
      %dma_wait3A_99 = arith.constant 0 : i32
      %dma_wait3A_100 = tpu.memref_slice %arg3[%dma_wait3A_98, %dma_wait3A_99] : memref<20000x64xf32, #tpu.memory_space<hbm>> -> memref<20000x64xf32, #tpu.memory_space<hbm>>
      tpu.wait_indirect_dma semaphore(%arg15 : memref<!tpu.dma_semaphore, #tpu.memory_space<semaphore_mem>>) src(%dma_wait3A_100 : memref<20000x64xf32, #tpu.memory_space<hbm>>) dst(%arg9 : memref<128x64xf32, #tpu.memory_space<vmem>>)
      %dma_start3A_101 = arith.constant 155 : i32
      %dma_start3A_102 = arith.constant 0 : i32
      %dma_start3A_103 = tpu.memref_slice %arg8[%dma_start3A_101, %dma_start3A_102] : memref<157x128xi32, #tpu.memory_space<vmem>> -> memref<1x128xi32, #tpu.memory_space<vmem>>
      %dma_start3A_104 = tpu.memref_squeeze %dma_start3A_103 : memref<1x128xi32, #tpu.memory_space<vmem>> -> memref<128xi32, #tpu.memory_space<vmem>>
      %dma_start3A_105 = arith.constant 0 : i32
      %dma_start3A_106 = arith.constant 0 : i32
      %dma_start3A_107 = tpu.memref_slice %arg14[%dma_start3A_105, %dma_start3A_106] : memref<10016x64xf32, #tpu.memory_space<vmem_shared>> -> memref<10016x64xf32, #tpu.memory_space<vmem_shared>>
      tpu.enqueue_indirect_dma source(%arg9 : memref<128x64xf32, #tpu.memory_space<vmem>>) target(%dma_start3A_107 : memref<10016x64xf32, #tpu.memory_space<vmem_shared>>) offsets(%dma_start3A_104 : memref<128xi32, #tpu.memory_space<vmem>>) semaphore(%arg20 : memref<!tpu.dma_semaphore, #tpu.memory_space<semaphore_mem>>) {add = true}
      %dma_wait3A_108 = arith.constant 156 : i32
      %dma_wait3A_109 = arith.constant 0 : i32
      %dma_wait3A_110 = tpu.memref_slice %arg7[%dma_wait3A_108, %dma_wait3A_109] : memref<157x128xi32, #tpu.memory_space<vmem>> -> memref<1x128xi32, #tpu.memory_space<vmem>>
      %dma_wait3A_111 = tpu.memref_squeeze %dma_wait3A_110 : memref<1x128xi32, #tpu.memory_space<vmem>> -> memref<128xi32, #tpu.memory_space<vmem>>
      %dma_wait3A_112 = arith.constant 0 : i32
      %dma_wait3A_113 = arith.constant 0 : i32
      %dma_wait3A_114 = tpu.memref_slice %arg3[%dma_wait3A_112, %dma_wait3A_113] : memref<20000x64xf32, #tpu.memory_space<hbm>> -> memref<20000x64xf32, #tpu.memory_space<hbm>>
      tpu.wait_indirect_dma semaphore(%arg16 : memref<!tpu.dma_semaphore, #tpu.memory_space<semaphore_mem>>) src(%dma_wait3A_114 : memref<20000x64xf32, #tpu.memory_space<hbm>>) dst(%arg10 : memref<128x64xf32, #tpu.memory_space<vmem>>)
      %dma_start3A_115 = arith.constant 156 : i32
      %dma_start3A_116 = arith.constant 0 : i32
      %dma_start3A_117 = tpu.memref_slice %arg8[%dma_start3A_115, %dma_start3A_116] : memref<157x128xi32, #tpu.memory_space<vmem>> -> memref<1x128xi32, #tpu.memory_space<vmem>>
      %dma_start3A_118 = tpu.memref_squeeze %dma_start3A_117 : memref<1x128xi32, #tpu.memory_space<vmem>> -> memref<128xi32, #tpu.memory_space<vmem>>
      %dma_start3A_119 = arith.constant 0 : i32
      %dma_start3A_120 = arith.constant 0 : i32
      %dma_start3A_121 = tpu.memref_slice %arg14[%dma_start3A_119, %dma_start3A_120] : memref<10016x64xf32, #tpu.memory_space<vmem_shared>> -> memref<10016x64xf32, #tpu.memory_space<vmem_shared>>
      tpu.enqueue_indirect_dma source(%arg10 : memref<128x64xf32, #tpu.memory_space<vmem>>) target(%dma_start3A_121 : memref<10016x64xf32, #tpu.memory_space<vmem_shared>>) offsets(%dma_start3A_118 : memref<128xi32, #tpu.memory_space<vmem>>) semaphore(%arg21 : memref<!tpu.dma_semaphore, #tpu.memory_space<semaphore_mem>>) {add = true}
      %dma_wait3A_122 = arith.constant 0 : i32
      %dma_wait3A_123 = arith.constant 0 : i32
      %dma_wait3A_124 = tpu.memref_slice %arg8[%dma_wait3A_122, %dma_wait3A_123] : memref<157x128xi32, #tpu.memory_space<vmem>> -> memref<1x128xi32, #tpu.memory_space<vmem>>
      %dma_wait3A_125 = tpu.memref_squeeze %dma_wait3A_124 : memref<1x128xi32, #tpu.memory_space<vmem>> -> memref<128xi32, #tpu.memory_space<vmem>>
      %dma_wait3A_126 = arith.constant 0 : i32
      %dma_wait3A_127 = arith.constant 0 : i32
      %dma_wait3A_128 = tpu.memref_slice %arg14[%dma_wait3A_126, %dma_wait3A_127] : memref<10016x64xf32, #tpu.memory_space<vmem_shared>> -> memref<10016x64xf32, #tpu.memory_space<vmem_shared>>
      tpu.wait_indirect_dma semaphore(%arg20 : memref<!tpu.dma_semaphore, #tpu.memory_space<semaphore_mem>>) src(%arg9 : memref<128x64xf32, #tpu.memory_space<vmem>>) dst(%dma_wait3A_128 : memref<10016x64xf32, #tpu.memory_space<vmem_shared>>)
      %dma_wait3A_129 = arith.constant 0 : i32
      %dma_wait3A_130 = arith.constant 0 : i32
      %dma_wait3A_131 = tpu.memref_slice %arg8[%dma_wait3A_129, %dma_wait3A_130] : memref<157x128xi32, #tpu.memory_space<vmem>> -> memref<1x128xi32, #tpu.memory_space<vmem>>
      %dma_wait3A_132 = tpu.memref_squeeze %dma_wait3A_131 : memref<1x128xi32, #tpu.memory_space<vmem>> -> memref<128xi32, #tpu.memory_space<vmem>>
      %dma_wait3A_133 = arith.constant 0 : i32
      %dma_wait3A_134 = arith.constant 0 : i32
      %dma_wait3A_135 = tpu.memref_slice %arg14[%dma_wait3A_133, %dma_wait3A_134] : memref<10016x64xf32, #tpu.memory_space<vmem_shared>> -> memref<10016x64xf32, #tpu.memory_space<vmem_shared>>
      tpu.wait_indirect_dma semaphore(%arg21 : memref<!tpu.dma_semaphore, #tpu.memory_space<semaphore_mem>>) src(%arg10 : memref<128x64xf32, #tpu.memory_space<vmem>>) dst(%dma_wait3A_135 : memref<10016x64xf32, #tpu.memory_space<vmem_shared>>)
      %dma_wait3A_136 = arith.constant 0 : i32
      %dma_wait3A_137 = arith.constant 0 : i32
      %dma_wait3A_138 = tpu.memref_slice %arg8[%dma_wait3A_136, %dma_wait3A_137] : memref<157x128xi32, #tpu.memory_space<vmem>> -> memref<1x128xi32, #tpu.memory_space<vmem>>
      %dma_wait3A_139 = tpu.memref_squeeze %dma_wait3A_138 : memref<1x128xi32, #tpu.memory_space<vmem>> -> memref<128xi32, #tpu.memory_space<vmem>>
      %dma_wait3A_140 = arith.constant 0 : i32
      %dma_wait3A_141 = arith.constant 0 : i32
      %dma_wait3A_142 = tpu.memref_slice %arg14[%dma_wait3A_140, %dma_wait3A_141] : memref<10016x64xf32, #tpu.memory_space<vmem_shared>> -> memref<10016x64xf32, #tpu.memory_space<vmem_shared>>
      tpu.wait_indirect_dma semaphore(%arg22 : memref<!tpu.dma_semaphore, #tpu.memory_space<semaphore_mem>>) src(%arg11 : memref<128x64xf32, #tpu.memory_space<vmem>>) dst(%dma_wait3A_142 : memref<10016x64xf32, #tpu.memory_space<vmem_shared>>)
      %dma_wait3A_143 = arith.constant 0 : i32
      %dma_wait3A_144 = arith.constant 0 : i32
      %dma_wait3A_145 = tpu.memref_slice %arg8[%dma_wait3A_143, %dma_wait3A_144] : memref<157x128xi32, #tpu.memory_space<vmem>> -> memref<1x128xi32, #tpu.memory_space<vmem>>
      %dma_wait3A_146 = tpu.memref_squeeze %dma_wait3A_145 : memref<1x128xi32, #tpu.memory_space<vmem>> -> memref<128xi32, #tpu.memory_space<vmem>>
      %dma_wait3A_147 = arith.constant 0 : i32
      %dma_wait3A_148 = arith.constant 0 : i32
      %dma_wait3A_149 = tpu.memref_slice %arg14[%dma_wait3A_147, %dma_wait3A_148] : memref<10016x64xf32, #tpu.memory_space<vmem_shared>> -> memref<10016x64xf32, #tpu.memory_space<vmem_shared>>
      tpu.wait_indirect_dma semaphore(%arg23 : memref<!tpu.dma_semaphore, #tpu.memory_space<semaphore_mem>>) src(%arg12 : memref<128x64xf32, #tpu.memory_space<vmem>>) dst(%dma_wait3A_149 : memref<10016x64xf32, #tpu.memory_space<vmem_shared>>)
      %dma_wait3A_150 = arith.constant 0 : i32
      %dma_wait3A_151 = arith.constant 0 : i32
      %dma_wait3A_152 = tpu.memref_slice %arg8[%dma_wait3A_150, %dma_wait3A_151] : memref<157x128xi32, #tpu.memory_space<vmem>> -> memref<1x128xi32, #tpu.memory_space<vmem>>
      %dma_wait3A_153 = tpu.memref_squeeze %dma_wait3A_152 : memref<1x128xi32, #tpu.memory_space<vmem>> -> memref<128xi32, #tpu.memory_space<vmem>>
      %dma_wait3A_154 = arith.constant 0 : i32
      %dma_wait3A_155 = arith.constant 0 : i32
      %dma_wait3A_156 = tpu.memref_slice %arg14[%dma_wait3A_154, %dma_wait3A_155] : memref<10016x64xf32, #tpu.memory_space<vmem_shared>> -> memref<10016x64xf32, #tpu.memory_space<vmem_shared>>
      tpu.wait_indirect_dma semaphore(%arg24 : memref<!tpu.dma_semaphore, #tpu.memory_space<semaphore_mem>>) src(%arg13 : memref<128x64xf32, #tpu.memory_space<vmem>>) dst(%dma_wait3A_156 : memref<10016x64xf32, #tpu.memory_space<vmem_shared>>)
      %barrier3A_157 = arith.constant 0 : index
      tpu.barrier barrier_id(%barrier3A_157)
      %mul3A_158 = arith.constant 624 : i32
      %mul3A_159 = arith.muli %arg1, %mul3A_158 : i32
      %mul3A_160 = arith.constant 624 : i32
      %mul3A_161 = arith.muli %arg1, %mul3A_160 : i32
      "tpu.region"() ({
        %run_scoped3A = tpu.sem_alloc : memref<!tpu.dma_semaphore, #tpu.memory_space<semaphore_mem>>
        %dma_start3A_167 = arith.constant 0 : i32
        %dma_start3A_168 = tpu.memref_slice %arg6[%mul3A_161, %dma_start3A_167] : memref<10000x128xf32, #tpu.memory_space<hbm>> -> memref<624x64xf32, #tpu.memory_space<hbm>>
        %dma_start3A_169 = arith.constant 0 : i32
        %dma_start3A_170 = tpu.memref_slice %arg14[%mul3A_159, %dma_start3A_169] : memref<10016x64xf32, #tpu.memory_space<vmem_shared>> -> memref<624x64xf32, #tpu.memory_space<vmem_shared>>
        tpu.enqueue_dma source(%dma_start3A_170 : memref<624x64xf32, #tpu.memory_space<vmem_shared>>) target(%dma_start3A_168 : memref<624x64xf32, #tpu.memory_space<hbm>>) target_semaphore(%run_scoped3A : memref<!tpu.dma_semaphore, #tpu.memory_space<semaphore_mem>>)
        %dma_wait3A_171 = arith.constant 0 : i32
        %dma_wait3A_172 = tpu.memref_slice %arg6[%mul3A_161, %dma_wait3A_171] : memref<10000x128xf32, #tpu.memory_space<hbm>> -> memref<624x64xf32, #tpu.memory_space<hbm>>
        %dma_wait3A_173 = arith.constant 0 : i32
        %dma_wait3A_174 = tpu.memref_slice %arg14[%mul3A_159, %dma_wait3A_173] : memref<10016x64xf32, #tpu.memory_space<vmem_shared>> -> memref<624x64xf32, #tpu.memory_space<vmem_shared>>
        tpu.wait_dma2 semaphore(%run_scoped3A : memref<!tpu.dma_semaphore, #tpu.memory_space<semaphore_mem>>) src(%dma_wait3A_174 : memref<624x64xf32, #tpu.memory_space<vmem_shared>>) dst(%dma_wait3A_172 : memref<624x64xf32, #tpu.memory_space<hbm>>)
        tpu.yield
      }) : () -> ()
      %eq3A_162 = arith.constant 0 : i32
      %eq3A_163 = arith.cmpi eq, %arg1, %eq3A_162 : i32
      %convert_element_type3A_164 = arith.extui %eq3A_163 : i1 to i32
      %cond3A_165 = arith.constant 0 : i32
      %cond3A_166 = arith.cmpi ne, %convert_element_type3A_164, %cond3A_165 : i32
      scf.if %cond3A_166 {
        "tpu.region"() ({
          %run_scoped3A = tpu.sem_alloc : memref<!tpu.dma_semaphore, #tpu.memory_space<semaphore_mem>>
          %dma_start3A_167 = arith.constant 9984 : i32
          %dma_start3A_168 = arith.constant 0 : i32
          %dma_start3A_169 = tpu.memref_slice %arg6[%dma_start3A_167, %dma_start3A_168] : memref<10000x128xf32, #tpu.memory_space<hbm>> -> memref<16x64xf32, #tpu.memory_space<hbm>>
          %dma_start3A_170 = arith.constant 9984 : i32
          %dma_start3A_171 = arith.constant 0 : i32
          %dma_start3A_172 = tpu.memref_slice %arg14[%dma_start3A_170, %dma_start3A_171] : memref<10016x64xf32, #tpu.memory_space<vmem_shared>> -> memref<16x64xf32, #tpu.memory_space<vmem_shared>>
          tpu.enqueue_dma source(%dma_start3A_172 : memref<16x64xf32, #tpu.memory_space<vmem_shared>>) target(%dma_start3A_169 : memref<16x64xf32, #tpu.memory_space<hbm>>) target_semaphore(%run_scoped3A : memref<!tpu.dma_semaphore, #tpu.memory_space<semaphore_mem>>)
          %dma_wait3A_173 = arith.constant 9984 : i32
          %dma_wait3A_174 = arith.constant 0 : i32
          %dma_wait3A_175 = tpu.memref_slice %arg6[%dma_wait3A_173, %dma_wait3A_174] : memref<10000x128xf32, #tpu.memory_space<hbm>> -> memref<16x64xf32, #tpu.memory_space<hbm>>
          %dma_wait3A_176 = arith.constant 9984 : i32
          %dma_wait3A_177 = arith.constant 0 : i32
          %dma_wait3A_178 = tpu.memref_slice %arg14[%dma_wait3A_176, %dma_wait3A_177] : memref<10016x64xf32, #tpu.memory_space<vmem_shared>> -> memref<16x64xf32, #tpu.memory_space<vmem_shared>>
          tpu.wait_dma2 semaphore(%run_scoped3A : memref<!tpu.dma_semaphore, #tpu.memory_space<semaphore_mem>>) src(%dma_wait3A_178 : memref<16x64xf32, #tpu.memory_space<vmem_shared>>) dst(%dma_wait3A_175 : memref<16x64xf32, #tpu.memory_space<hbm>>)
          tpu.yield
        }) : () -> ()
      } else {
      }
    } else {
    }
    %eq3A_2 = arith.constant 1 : i32
    %eq3A_3 = arith.cmpi eq, %arg0, %eq3A_2 : i32
    %convert_element_type3A_4 = arith.extui %eq3A_3 : i1 to i32
    %cond3A_5 = arith.constant 0 : i32
    %cond3A_6 = arith.cmpi ne, %convert_element_type3A_4, %cond3A_5 : i32
    scf.if %cond3A_6 {
      %mul3A = arith.constant 157 : i32
      %mul3A_7 = arith.muli %arg1, %mul3A : i32
      %dma_start3A = arith.constant 0 : i32
      %dma_start3A_8 = tpu.memref_slice %arg4[%mul3A_7, %dma_start3A] : memref<2512x128xi32, #tpu.memory_space<hbm>> -> memref<157x128xi32, #tpu.memory_space<hbm>>
      %dma_start3A_9 = arith.constant 0 : i32
      %dma_start3A_10 = tpu.memref_slice %arg4[%mul3A_7, %dma_start3A_9] : memref<2512x128xi32, #tpu.memory_space<hbm>> -> memref<157x128xi32, #tpu.memory_space<hbm>>
      tpu.enqueue_dma source(%dma_start3A_10 : memref<157x128xi32, #tpu.memory_space<hbm>>) target(%arg7 : memref<157x128xi32, #tpu.memory_space<vmem>>) target_semaphore(%arg20 : memref<!tpu.dma_semaphore, #tpu.memory_space<semaphore_mem>>)
      %mul3A_11 = arith.constant 157 : i32
      %mul3A_12 = arith.muli %arg1, %mul3A_11 : i32
      %dma_start3A_13 = arith.constant 0 : i32
      %dma_start3A_14 = tpu.memref_slice %arg5[%mul3A_12, %dma_start3A_13] : memref<2512x128xi32, #tpu.memory_space<hbm>> -> memref<157x128xi32, #tpu.memory_space<hbm>>
      %dma_start3A_15 = arith.constant 0 : i32
      %dma_start3A_16 = tpu.memref_slice %arg5[%mul3A_12, %dma_start3A_15] : memref<2512x128xi32, #tpu.memory_space<hbm>> -> memref<157x128xi32, #tpu.memory_space<hbm>>
      tpu.enqueue_dma source(%dma_start3A_16 : memref<157x128xi32, #tpu.memory_space<hbm>>) target(%arg8 : memref<157x128xi32, #tpu.memory_space<vmem>>) target_semaphore(%arg21 : memref<!tpu.dma_semaphore, #tpu.memory_space<semaphore_mem>>)
      %mul3A_17 = arith.constant 624 : i32
      %mul3A_18 = arith.muli %arg1, %mul3A_17 : i32
      %mul3A_19 = arith.constant 624 : i32
      %mul3A_20 = arith.muli %arg1, %mul3A_19 : i32
      %dma_start3A_21 = arith.constant 0 : i32
      %dma_start3A_22 = tpu.memref_slice %arg14[%mul3A_20, %dma_start3A_21] : memref<10016x64xf32, #tpu.memory_space<vmem_shared>> -> memref<624x64xf32, #tpu.memory_space<vmem_shared>>
      %dma_start3A_23 = arith.constant 64 : i32
      %dma_start3A_24 = tpu.memref_slice %arg2[%mul3A_18, %dma_start3A_23] : memref<10000x128xf32, #tpu.memory_space<hbm>> -> memref<624x64xf32, #tpu.memory_space<hbm>>
      tpu.enqueue_dma source(%dma_start3A_24 : memref<624x64xf32, #tpu.memory_space<hbm>>) target(%dma_start3A_22 : memref<624x64xf32, #tpu.memory_space<vmem_shared>>) target_semaphore(%arg22 : memref<!tpu.dma_semaphore, #tpu.memory_space<semaphore_mem>>)
      %eq3A_25 = arith.constant 0 : i32
      %eq3A_26 = arith.cmpi eq, %arg1, %eq3A_25 : i32
      %convert_element_type3A_27 = arith.extui %eq3A_26 : i1 to i32
      %cond3A_28 = arith.constant 0 : i32
      %cond3A_29 = arith.cmpi ne, %convert_element_type3A_27, %cond3A_28 : i32
      scf.if %cond3A_29 {
        %dma_start3A_188 = arith.constant 9984 : i32
        %dma_start3A_189 = arith.constant 0 : i32
        %dma_start3A_190 = tpu.memref_slice %arg14[%dma_start3A_188, %dma_start3A_189] : memref<10016x64xf32, #tpu.memory_space<vmem_shared>> -> memref<16x64xf32, #tpu.memory_space<vmem_shared>>
        %dma_start3A_191 = arith.constant 9984 : i32
        %dma_start3A_192 = arith.constant 64 : i32
        %dma_start3A_193 = tpu.memref_slice %arg2[%dma_start3A_191, %dma_start3A_192] : memref<10000x128xf32, #tpu.memory_space<hbm>> -> memref<16x64xf32, #tpu.memory_space<hbm>>
        tpu.enqueue_dma source(%dma_start3A_193 : memref<16x64xf32, #tpu.memory_space<hbm>>) target(%dma_start3A_190 : memref<16x64xf32, #tpu.memory_space<vmem_shared>>) target_semaphore(%arg23 : memref<!tpu.dma_semaphore, #tpu.memory_space<semaphore_mem>>)
      } else {
      }
      %mul3A_30 = arith.constant 157 : i32
      %mul3A_31 = arith.muli %arg1, %mul3A_30 : i32
      %dma_wait3A = arith.constant 0 : i32
      %dma_wait3A_32 = tpu.memref_slice %arg4[%mul3A_31, %dma_wait3A] : memref<2512x128xi32, #tpu.memory_space<hbm>> -> memref<157x128xi32, #tpu.memory_space<hbm>>
      %dma_wait3A_33 = arith.constant 0 : i32
      %dma_wait3A_34 = tpu.memref_slice %arg4[%mul3A_31, %dma_wait3A_33] : memref<2512x128xi32, #tpu.memory_space<hbm>> -> memref<157x128xi32, #tpu.memory_space<hbm>>
      tpu.wait_dma2 semaphore(%arg20 : memref<!tpu.dma_semaphore, #tpu.memory_space<semaphore_mem>>) src(%dma_wait3A_34 : memref<157x128xi32, #tpu.memory_space<hbm>>) dst(%arg7 : memref<157x128xi32, #tpu.memory_space<vmem>>)
      %dma_start3A_35 = arith.constant 0 : i32
      %dma_start3A_36 = arith.constant 0 : i32
      %dma_start3A_37 = tpu.memref_slice %arg7[%dma_start3A_35, %dma_start3A_36] : memref<157x128xi32, #tpu.memory_space<vmem>> -> memref<1x128xi32, #tpu.memory_space<vmem>>
      %dma_start3A_38 = tpu.memref_squeeze %dma_start3A_37 : memref<1x128xi32, #tpu.memory_space<vmem>> -> memref<128xi32, #tpu.memory_space<vmem>>
      %dma_start3A_39 = arith.constant 1 : i32
      %dma_start3A_40 = arith.constant 0 : i32
      %dma_start3A_41 = tpu.memref_slice %arg3[%dma_start3A_39, %dma_start3A_40] : memref<20000x64xf32, #tpu.memory_space<hbm>> -> memref<19999x64xf32, #tpu.memory_space<hbm>>
      %dma_start3A_42 = arith.constant 0 : i32
      %dma_start3A_43 = arith.constant 0 : i32
      %dma_start3A_44 = tpu.memref_slice %dma_start3A_41[%dma_start3A_42, %dma_start3A_43] : memref<19999x64xf32, #tpu.memory_space<hbm>> -> memref<19999x64xf32, #tpu.memory_space<hbm>>
      tpu.enqueue_indirect_dma source(%dma_start3A_44 : memref<19999x64xf32, #tpu.memory_space<hbm>>) target(%arg9 : memref<128x64xf32, #tpu.memory_space<vmem>>) offsets(%dma_start3A_38 : memref<128xi32, #tpu.memory_space<vmem>>) semaphore(%arg15 : memref<!tpu.dma_semaphore, #tpu.memory_space<semaphore_mem>>)
      %dma_start3A_45 = arith.constant 1 : i32
      %dma_start3A_46 = arith.constant 0 : i32
      %dma_start3A_47 = tpu.memref_slice %arg7[%dma_start3A_45, %dma_start3A_46] : memref<157x128xi32, #tpu.memory_space<vmem>> -> memref<1x128xi32, #tpu.memory_space<vmem>>
      %dma_start3A_48 = tpu.memref_squeeze %dma_start3A_47 : memref<1x128xi32, #tpu.memory_space<vmem>> -> memref<128xi32, #tpu.memory_space<vmem>>
      %dma_start3A_49 = arith.constant 1 : i32
      %dma_start3A_50 = arith.constant 0 : i32
      %dma_start3A_51 = tpu.memref_slice %arg3[%dma_start3A_49, %dma_start3A_50] : memref<20000x64xf32, #tpu.memory_space<hbm>> -> memref<19999x64xf32, #tpu.memory_space<hbm>>
      %dma_start3A_52 = arith.constant 0 : i32
      %dma_start3A_53 = arith.constant 0 : i32
      %dma_start3A_54 = tpu.memref_slice %dma_start3A_51[%dma_start3A_52, %dma_start3A_53] : memref<19999x64xf32, #tpu.memory_space<hbm>> -> memref<19999x64xf32, #tpu.memory_space<hbm>>
      tpu.enqueue_indirect_dma source(%dma_start3A_54 : memref<19999x64xf32, #tpu.memory_space<hbm>>) target(%arg10 : memref<128x64xf32, #tpu.memory_space<vmem>>) offsets(%dma_start3A_48 : memref<128xi32, #tpu.memory_space<vmem>>) semaphore(%arg16 : memref<!tpu.dma_semaphore, #tpu.memory_space<semaphore_mem>>)
      %dma_start3A_55 = arith.constant 2 : i32
      %dma_start3A_56 = arith.constant 0 : i32
      %dma_start3A_57 = tpu.memref_slice %arg7[%dma_start3A_55, %dma_start3A_56] : memref<157x128xi32, #tpu.memory_space<vmem>> -> memref<1x128xi32, #tpu.memory_space<vmem>>
      %dma_start3A_58 = tpu.memref_squeeze %dma_start3A_57 : memref<1x128xi32, #tpu.memory_space<vmem>> -> memref<128xi32, #tpu.memory_space<vmem>>
      %dma_start3A_59 = arith.constant 1 : i32
      %dma_start3A_60 = arith.constant 0 : i32
      %dma_start3A_61 = tpu.memref_slice %arg3[%dma_start3A_59, %dma_start3A_60] : memref<20000x64xf32, #tpu.memory_space<hbm>> -> memref<19999x64xf32, #tpu.memory_space<hbm>>
      %dma_start3A_62 = arith.constant 0 : i32
      %dma_start3A_63 = arith.constant 0 : i32
      %dma_start3A_64 = tpu.memref_slice %dma_start3A_61[%dma_start3A_62, %dma_start3A_63] : memref<19999x64xf32, #tpu.memory_space<hbm>> -> memref<19999x64xf32, #tpu.memory_space<hbm>>
      tpu.enqueue_indirect_dma source(%dma_start3A_64 : memref<19999x64xf32, #tpu.memory_space<hbm>>) target(%arg11 : memref<128x64xf32, #tpu.memory_space<vmem>>) offsets(%dma_start3A_58 : memref<128xi32, #tpu.memory_space<vmem>>) semaphore(%arg17 : memref<!tpu.dma_semaphore, #tpu.memory_space<semaphore_mem>>)
      %dma_start3A_65 = arith.constant 3 : i32
      %dma_start3A_66 = arith.constant 0 : i32
      %dma_start3A_67 = tpu.memref_slice %arg7[%dma_start3A_65, %dma_start3A_66] : memref<157x128xi32, #tpu.memory_space<vmem>> -> memref<1x128xi32, #tpu.memory_space<vmem>>
      %dma_start3A_68 = tpu.memref_squeeze %dma_start3A_67 : memref<1x128xi32, #tpu.memory_space<vmem>> -> memref<128xi32, #tpu.memory_space<vmem>>
      %dma_start3A_69 = arith.constant 1 : i32
      %dma_start3A_70 = arith.constant 0 : i32
      %dma_start3A_71 = tpu.memref_slice %arg3[%dma_start3A_69, %dma_start3A_70] : memref<20000x64xf32, #tpu.memory_space<hbm>> -> memref<19999x64xf32, #tpu.memory_space<hbm>>
      %dma_start3A_72 = arith.constant 0 : i32
      %dma_start3A_73 = arith.constant 0 : i32
      %dma_start3A_74 = tpu.memref_slice %dma_start3A_71[%dma_start3A_72, %dma_start3A_73] : memref<19999x64xf32, #tpu.memory_space<hbm>> -> memref<19999x64xf32, #tpu.memory_space<hbm>>
      tpu.enqueue_indirect_dma source(%dma_start3A_74 : memref<19999x64xf32, #tpu.memory_space<hbm>>) target(%arg12 : memref<128x64xf32, #tpu.memory_space<vmem>>) offsets(%dma_start3A_68 : memref<128xi32, #tpu.memory_space<vmem>>) semaphore(%arg18 : memref<!tpu.dma_semaphore, #tpu.memory_space<semaphore_mem>>)
      %dma_start3A_75 = arith.constant 4 : i32
      %dma_start3A_76 = arith.constant 0 : i32
      %dma_start3A_77 = tpu.memref_slice %arg7[%dma_start3A_75, %dma_start3A_76] : memref<157x128xi32, #tpu.memory_space<vmem>> -> memref<1x128xi32, #tpu.memory_space<vmem>>
      %dma_start3A_78 = tpu.memref_squeeze %dma_start3A_77 : memref<1x128xi32, #tpu.memory_space<vmem>> -> memref<128xi32, #tpu.memory_space<vmem>>
      %dma_start3A_79 = arith.constant 1 : i32
      %dma_start3A_80 = arith.constant 0 : i32
      %dma_start3A_81 = tpu.memref_slice %arg3[%dma_start3A_79, %dma_start3A_80] : memref<20000x64xf32, #tpu.memory_space<hbm>> -> memref<19999x64xf32, #tpu.memory_space<hbm>>
      %dma_start3A_82 = arith.constant 0 : i32
      %dma_start3A_83 = arith.constant 0 : i32
      %dma_start3A_84 = tpu.memref_slice %dma_start3A_81[%dma_start3A_82, %dma_start3A_83] : memref<19999x64xf32, #tpu.memory_space<hbm>> -> memref<19999x64xf32, #tpu.memory_space<hbm>>
      tpu.enqueue_indirect_dma source(%dma_start3A_84 : memref<19999x64xf32, #tpu.memory_space<hbm>>) target(%arg13 : memref<128x64xf32, #tpu.memory_space<vmem>>) offsets(%dma_start3A_78 : memref<128xi32, #tpu.memory_space<vmem>>) semaphore(%arg19 : memref<!tpu.dma_semaphore, #tpu.memory_space<semaphore_mem>>)
      %mul3A_85 = arith.constant 157 : i32
      %mul3A_86 = arith.muli %arg1, %mul3A_85 : i32
      %dma_wait3A_87 = arith.constant 0 : i32
      %dma_wait3A_88 = tpu.memref_slice %arg5[%mul3A_86, %dma_wait3A_87] : memref<2512x128xi32, #tpu.memory_space<hbm>> -> memref<157x128xi32, #tpu.memory_space<hbm>>
      %dma_wait3A_89 = arith.constant 0 : i32
      %dma_wait3A_90 = tpu.memref_slice %arg5[%mul3A_86, %dma_wait3A_89] : memref<2512x128xi32, #tpu.memory_space<hbm>> -> memref<157x128xi32, #tpu.memory_space<hbm>>
      tpu.wait_dma2 semaphore(%arg21 : memref<!tpu.dma_semaphore, #tpu.memory_space<semaphore_mem>>) src(%dma_wait3A_90 : memref<157x128xi32, #tpu.memory_space<hbm>>) dst(%arg8 : memref<157x128xi32, #tpu.memory_space<vmem>>)
      %mul3A_91 = arith.constant 624 : i32
      %mul3A_92 = arith.muli %arg1, %mul3A_91 : i32
      %mul3A_93 = arith.constant 624 : i32
      %mul3A_94 = arith.muli %arg1, %mul3A_93 : i32
      %dma_wait3A_95 = arith.constant 0 : i32
      %dma_wait3A_96 = tpu.memref_slice %arg14[%mul3A_94, %dma_wait3A_95] : memref<10016x64xf32, #tpu.memory_space<vmem_shared>> -> memref<624x64xf32, #tpu.memory_space<vmem_shared>>
      %dma_wait3A_97 = arith.constant 64 : i32
      %dma_wait3A_98 = tpu.memref_slice %arg2[%mul3A_92, %dma_wait3A_97] : memref<10000x128xf32, #tpu.memory_space<hbm>> -> memref<624x64xf32, #tpu.memory_space<hbm>>
      tpu.wait_dma2 semaphore(%arg22 : memref<!tpu.dma_semaphore, #tpu.memory_space<semaphore_mem>>) src(%dma_wait3A_98 : memref<624x64xf32, #tpu.memory_space<hbm>>) dst(%dma_wait3A_96 : memref<624x64xf32, #tpu.memory_space<vmem_shared>>)
      %eq3A_99 = arith.constant 0 : i32
      %eq3A_100 = arith.cmpi eq, %arg1, %eq3A_99 : i32
      %convert_element_type3A_101 = arith.extui %eq3A_100 : i1 to i32
      %cond3A_102 = arith.constant 0 : i32
      %cond3A_103 = arith.cmpi ne, %convert_element_type3A_101, %cond3A_102 : i32
      scf.if %cond3A_103 {
        %dma_wait3A_188 = arith.constant 9984 : i32
        %dma_wait3A_189 = arith.constant 0 : i32
        %dma_wait3A_190 = tpu.memref_slice %arg14[%dma_wait3A_188, %dma_wait3A_189] : memref<10016x64xf32, #tpu.memory_space<vmem_shared>> -> memref<16x64xf32, #tpu.memory_space<vmem_shared>>
        %dma_wait3A_191 = arith.constant 9984 : i32
        %dma_wait3A_192 = arith.constant 64 : i32
        %dma_wait3A_193 = tpu.memref_slice %arg2[%dma_wait3A_191, %dma_wait3A_192] : memref<10000x128xf32, #tpu.memory_space<hbm>> -> memref<16x64xf32, #tpu.memory_space<hbm>>
        tpu.wait_dma2 semaphore(%arg23 : memref<!tpu.dma_semaphore, #tpu.memory_space<semaphore_mem>>) src(%dma_wait3A_193 : memref<16x64xf32, #tpu.memory_space<hbm>>) dst(%dma_wait3A_190 : memref<16x64xf32, #tpu.memory_space<vmem_shared>>)
      } else {
      }
      %barrier3A = arith.constant 0 : index
      tpu.barrier barrier_id(%barrier3A)
      %scan3A = arith.constant 0 : i32
      %scan3A_104 = arith.constant 0 : i32
      %scan3A_105 = arith.constant 31 : i32
      %scan3A_106 = arith.addi %scan3A_104, %scan3A_105 : i32
      %scan3A_107 = arith.constant 1 : i32
      scf.for %scan3A_188 = %scan3A_104 to %scan3A_106 step %scan3A_107  : i32 {
        %mul3A_189 = arith.constant 5 : i32
        %mul3A_190 = arith.muli %mul3A_189, %scan3A_188 : i32
        %add3A = arith.constant 0 : i32
        %add3A_191 = arith.addi %mul3A_190, %add3A : i32
        %dma_wait3A_192 = arith.constant 0 : i32
        %dma_wait3A_193 = tpu.memref_slice %arg7[%add3A_191, %dma_wait3A_192] : memref<157x128xi32, #tpu.memory_space<vmem>> -> memref<1x128xi32, #tpu.memory_space<vmem>>
        %dma_wait3A_194 = tpu.memref_squeeze %dma_wait3A_193 : memref<1x128xi32, #tpu.memory_space<vmem>> -> memref<128xi32, #tpu.memory_space<vmem>>
        %dma_wait3A_195 = arith.constant 1 : i32
        %dma_wait3A_196 = arith.constant 0 : i32
        %dma_wait3A_197 = tpu.memref_slice %arg3[%dma_wait3A_195, %dma_wait3A_196] : memref<20000x64xf32, #tpu.memory_space<hbm>> -> memref<19999x64xf32, #tpu.memory_space<hbm>>
        %dma_wait3A_198 = arith.constant 0 : i32
        %dma_wait3A_199 = arith.constant 0 : i32
        %dma_wait3A_200 = tpu.memref_slice %dma_wait3A_197[%dma_wait3A_198, %dma_wait3A_199] : memref<19999x64xf32, #tpu.memory_space<hbm>> -> memref<19999x64xf32, #tpu.memory_space<hbm>>
        tpu.wait_indirect_dma semaphore(%arg15 : memref<!tpu.dma_semaphore, #tpu.memory_space<semaphore_mem>>) src(%dma_wait3A_200 : memref<19999x64xf32, #tpu.memory_space<hbm>>) dst(%arg9 : memref<128x64xf32, #tpu.memory_space<vmem>>)
        %add3A_201 = arith.constant 0 : i32
        %add3A_202 = arith.addi %mul3A_190, %add3A_201 : i32
        %dma_start3A_203 = arith.constant 0 : i32
        %dma_start3A_204 = tpu.memref_slice %arg8[%add3A_202, %dma_start3A_203] : memref<157x128xi32, #tpu.memory_space<vmem>> -> memref<1x128xi32, #tpu.memory_space<vmem>>
        %dma_start3A_205 = tpu.memref_squeeze %dma_start3A_204 : memref<1x128xi32, #tpu.memory_space<vmem>> -> memref<128xi32, #tpu.memory_space<vmem>>
        %dma_start3A_206 = arith.constant 0 : i32
        %dma_start3A_207 = arith.constant 0 : i32
        %dma_start3A_208 = tpu.memref_slice %arg14[%dma_start3A_206, %dma_start3A_207] : memref<10016x64xf32, #tpu.memory_space<vmem_shared>> -> memref<10016x64xf32, #tpu.memory_space<vmem_shared>>
        tpu.enqueue_indirect_dma source(%arg9 : memref<128x64xf32, #tpu.memory_space<vmem>>) target(%dma_start3A_208 : memref<10016x64xf32, #tpu.memory_space<vmem_shared>>) offsets(%dma_start3A_205 : memref<128xi32, #tpu.memory_space<vmem>>) semaphore(%arg20 : memref<!tpu.dma_semaphore, #tpu.memory_space<semaphore_mem>>) {add = true}
        %add3A_209 = arith.constant 1 : i32
        %add3A_210 = arith.addi %mul3A_190, %add3A_209 : i32
        %dma_wait3A_211 = arith.constant 0 : i32
        %dma_wait3A_212 = tpu.memref_slice %arg7[%add3A_210, %dma_wait3A_211] : memref<157x128xi32, #tpu.memory_space<vmem>> -> memref<1x128xi32, #tpu.memory_space<vmem>>
        %dma_wait3A_213 = tpu.memref_squeeze %dma_wait3A_212 : memref<1x128xi32, #tpu.memory_space<vmem>> -> memref<128xi32, #tpu.memory_space<vmem>>
        %dma_wait3A_214 = arith.constant 1 : i32
        %dma_wait3A_215 = arith.constant 0 : i32
        %dma_wait3A_216 = tpu.memref_slice %arg3[%dma_wait3A_214, %dma_wait3A_215] : memref<20000x64xf32, #tpu.memory_space<hbm>> -> memref<19999x64xf32, #tpu.memory_space<hbm>>
        %dma_wait3A_217 = arith.constant 0 : i32
        %dma_wait3A_218 = arith.constant 0 : i32
        %dma_wait3A_219 = tpu.memref_slice %dma_wait3A_216[%dma_wait3A_217, %dma_wait3A_218] : memref<19999x64xf32, #tpu.memory_space<hbm>> -> memref<19999x64xf32, #tpu.memory_space<hbm>>
        tpu.wait_indirect_dma semaphore(%arg16 : memref<!tpu.dma_semaphore, #tpu.memory_space<semaphore_mem>>) src(%dma_wait3A_219 : memref<19999x64xf32, #tpu.memory_space<hbm>>) dst(%arg10 : memref<128x64xf32, #tpu.memory_space<vmem>>)
        %add3A_220 = arith.constant 1 : i32
        %add3A_221 = arith.addi %mul3A_190, %add3A_220 : i32
        %dma_start3A_222 = arith.constant 0 : i32
        %dma_start3A_223 = tpu.memref_slice %arg8[%add3A_221, %dma_start3A_222] : memref<157x128xi32, #tpu.memory_space<vmem>> -> memref<1x128xi32, #tpu.memory_space<vmem>>
        %dma_start3A_224 = tpu.memref_squeeze %dma_start3A_223 : memref<1x128xi32, #tpu.memory_space<vmem>> -> memref<128xi32, #tpu.memory_space<vmem>>
        %dma_start3A_225 = arith.constant 0 : i32
        %dma_start3A_226 = arith.constant 0 : i32
        %dma_start3A_227 = tpu.memref_slice %arg14[%dma_start3A_225, %dma_start3A_226] : memref<10016x64xf32, #tpu.memory_space<vmem_shared>> -> memref<10016x64xf32, #tpu.memory_space<vmem_shared>>
        tpu.enqueue_indirect_dma source(%arg10 : memref<128x64xf32, #tpu.memory_space<vmem>>) target(%dma_start3A_227 : memref<10016x64xf32, #tpu.memory_space<vmem_shared>>) offsets(%dma_start3A_224 : memref<128xi32, #tpu.memory_space<vmem>>) semaphore(%arg21 : memref<!tpu.dma_semaphore, #tpu.memory_space<semaphore_mem>>) {add = true}
        %add3A_228 = arith.constant 2 : i32
        %add3A_229 = arith.addi %mul3A_190, %add3A_228 : i32
        %dma_wait3A_230 = arith.constant 0 : i32
        %dma_wait3A_231 = tpu.memref_slice %arg7[%add3A_229, %dma_wait3A_230] : memref<157x128xi32, #tpu.memory_space<vmem>> -> memref<1x128xi32, #tpu.memory_space<vmem>>
        %dma_wait3A_232 = tpu.memref_squeeze %dma_wait3A_231 : memref<1x128xi32, #tpu.memory_space<vmem>> -> memref<128xi32, #tpu.memory_space<vmem>>
        %dma_wait3A_233 = arith.constant 1 : i32
        %dma_wait3A_234 = arith.constant 0 : i32
        %dma_wait3A_235 = tpu.memref_slice %arg3[%dma_wait3A_233, %dma_wait3A_234] : memref<20000x64xf32, #tpu.memory_space<hbm>> -> memref<19999x64xf32, #tpu.memory_space<hbm>>
        %dma_wait3A_236 = arith.constant 0 : i32
        %dma_wait3A_237 = arith.constant 0 : i32
        %dma_wait3A_238 = tpu.memref_slice %dma_wait3A_235[%dma_wait3A_236, %dma_wait3A_237] : memref<19999x64xf32, #tpu.memory_space<hbm>> -> memref<19999x64xf32, #tpu.memory_space<hbm>>
        tpu.wait_indirect_dma semaphore(%arg17 : memref<!tpu.dma_semaphore, #tpu.memory_space<semaphore_mem>>) src(%dma_wait3A_238 : memref<19999x64xf32, #tpu.memory_space<hbm>>) dst(%arg11 : memref<128x64xf32, #tpu.memory_space<vmem>>)
        %add3A_239 = arith.constant 2 : i32
        %add3A_240 = arith.addi %mul3A_190, %add3A_239 : i32
        %dma_start3A_241 = arith.constant 0 : i32
        %dma_start3A_242 = tpu.memref_slice %arg8[%add3A_240, %dma_start3A_241] : memref<157x128xi32, #tpu.memory_space<vmem>> -> memref<1x128xi32, #tpu.memory_space<vmem>>
        %dma_start3A_243 = tpu.memref_squeeze %dma_start3A_242 : memref<1x128xi32, #tpu.memory_space<vmem>> -> memref<128xi32, #tpu.memory_space<vmem>>
        %dma_start3A_244 = arith.constant 0 : i32
        %dma_start3A_245 = arith.constant 0 : i32
        %dma_start3A_246 = tpu.memref_slice %arg14[%dma_start3A_244, %dma_start3A_245] : memref<10016x64xf32, #tpu.memory_space<vmem_shared>> -> memref<10016x64xf32, #tpu.memory_space<vmem_shared>>
        tpu.enqueue_indirect_dma source(%arg11 : memref<128x64xf32, #tpu.memory_space<vmem>>) target(%dma_start3A_246 : memref<10016x64xf32, #tpu.memory_space<vmem_shared>>) offsets(%dma_start3A_243 : memref<128xi32, #tpu.memory_space<vmem>>) semaphore(%arg22 : memref<!tpu.dma_semaphore, #tpu.memory_space<semaphore_mem>>) {add = true}
        %add3A_247 = arith.constant 3 : i32
        %add3A_248 = arith.addi %mul3A_190, %add3A_247 : i32
        %dma_wait3A_249 = arith.constant 0 : i32
        %dma_wait3A_250 = tpu.memref_slice %arg7[%add3A_248, %dma_wait3A_249] : memref<157x128xi32, #tpu.memory_space<vmem>> -> memref<1x128xi32, #tpu.memory_space<vmem>>
        %dma_wait3A_251 = tpu.memref_squeeze %dma_wait3A_250 : memref<1x128xi32, #tpu.memory_space<vmem>> -> memref<128xi32, #tpu.memory_space<vmem>>
        %dma_wait3A_252 = arith.constant 1 : i32
        %dma_wait3A_253 = arith.constant 0 : i32
        %dma_wait3A_254 = tpu.memref_slice %arg3[%dma_wait3A_252, %dma_wait3A_253] : memref<20000x64xf32, #tpu.memory_space<hbm>> -> memref<19999x64xf32, #tpu.memory_space<hbm>>
        %dma_wait3A_255 = arith.constant 0 : i32
        %dma_wait3A_256 = arith.constant 0 : i32
        %dma_wait3A_257 = tpu.memref_slice %dma_wait3A_254[%dma_wait3A_255, %dma_wait3A_256] : memref<19999x64xf32, #tpu.memory_space<hbm>> -> memref<19999x64xf32, #tpu.memory_space<hbm>>
        tpu.wait_indirect_dma semaphore(%arg18 : memref<!tpu.dma_semaphore, #tpu.memory_space<semaphore_mem>>) src(%dma_wait3A_257 : memref<19999x64xf32, #tpu.memory_space<hbm>>) dst(%arg12 : memref<128x64xf32, #tpu.memory_space<vmem>>)
        %add3A_258 = arith.constant 3 : i32
        %add3A_259 = arith.addi %mul3A_190, %add3A_258 : i32
        %dma_start3A_260 = arith.constant 0 : i32
        %dma_start3A_261 = tpu.memref_slice %arg8[%add3A_259, %dma_start3A_260] : memref<157x128xi32, #tpu.memory_space<vmem>> -> memref<1x128xi32, #tpu.memory_space<vmem>>
        %dma_start3A_262 = tpu.memref_squeeze %dma_start3A_261 : memref<1x128xi32, #tpu.memory_space<vmem>> -> memref<128xi32, #tpu.memory_space<vmem>>
        %dma_start3A_263 = arith.constant 0 : i32
        %dma_start3A_264 = arith.constant 0 : i32
        %dma_start3A_265 = tpu.memref_slice %arg14[%dma_start3A_263, %dma_start3A_264] : memref<10016x64xf32, #tpu.memory_space<vmem_shared>> -> memref<10016x64xf32, #tpu.memory_space<vmem_shared>>
        tpu.enqueue_indirect_dma source(%arg12 : memref<128x64xf32, #tpu.memory_space<vmem>>) target(%dma_start3A_265 : memref<10016x64xf32, #tpu.memory_space<vmem_shared>>) offsets(%dma_start3A_262 : memref<128xi32, #tpu.memory_space<vmem>>) semaphore(%arg23 : memref<!tpu.dma_semaphore, #tpu.memory_space<semaphore_mem>>) {add = true}
        %add3A_266 = arith.constant 4 : i32
        %add3A_267 = arith.addi %mul3A_190, %add3A_266 : i32
        %dma_wait3A_268 = arith.constant 0 : i32
        %dma_wait3A_269 = tpu.memref_slice %arg7[%add3A_267, %dma_wait3A_268] : memref<157x128xi32, #tpu.memory_space<vmem>> -> memref<1x128xi32, #tpu.memory_space<vmem>>
        %dma_wait3A_270 = tpu.memref_squeeze %dma_wait3A_269 : memref<1x128xi32, #tpu.memory_space<vmem>> -> memref<128xi32, #tpu.memory_space<vmem>>
        %dma_wait3A_271 = arith.constant 1 : i32
        %dma_wait3A_272 = arith.constant 0 : i32
        %dma_wait3A_273 = tpu.memref_slice %arg3[%dma_wait3A_271, %dma_wait3A_272] : memref<20000x64xf32, #tpu.memory_space<hbm>> -> memref<19999x64xf32, #tpu.memory_space<hbm>>
        %dma_wait3A_274 = arith.constant 0 : i32
        %dma_wait3A_275 = arith.constant 0 : i32
        %dma_wait3A_276 = tpu.memref_slice %dma_wait3A_273[%dma_wait3A_274, %dma_wait3A_275] : memref<19999x64xf32, #tpu.memory_space<hbm>> -> memref<19999x64xf32, #tpu.memory_space<hbm>>
        tpu.wait_indirect_dma semaphore(%arg19 : memref<!tpu.dma_semaphore, #tpu.memory_space<semaphore_mem>>) src(%dma_wait3A_276 : memref<19999x64xf32, #tpu.memory_space<hbm>>) dst(%arg13 : memref<128x64xf32, #tpu.memory_space<vmem>>)
        %add3A_277 = arith.constant 4 : i32
        %add3A_278 = arith.addi %mul3A_190, %add3A_277 : i32
        %dma_start3A_279 = arith.constant 0 : i32
        %dma_start3A_280 = tpu.memref_slice %arg8[%add3A_278, %dma_start3A_279] : memref<157x128xi32, #tpu.memory_space<vmem>> -> memref<1x128xi32, #tpu.memory_space<vmem>>
        %dma_start3A_281 = tpu.memref_squeeze %dma_start3A_280 : memref<1x128xi32, #tpu.memory_space<vmem>> -> memref<128xi32, #tpu.memory_space<vmem>>
        %dma_start3A_282 = arith.constant 0 : i32
        %dma_start3A_283 = arith.constant 0 : i32
        %dma_start3A_284 = tpu.memref_slice %arg14[%dma_start3A_282, %dma_start3A_283] : memref<10016x64xf32, #tpu.memory_space<vmem_shared>> -> memref<10016x64xf32, #tpu.memory_space<vmem_shared>>
        tpu.enqueue_indirect_dma source(%arg13 : memref<128x64xf32, #tpu.memory_space<vmem>>) target(%dma_start3A_284 : memref<10016x64xf32, #tpu.memory_space<vmem_shared>>) offsets(%dma_start3A_281 : memref<128xi32, #tpu.memory_space<vmem>>) semaphore(%arg24 : memref<!tpu.dma_semaphore, #tpu.memory_space<semaphore_mem>>) {add = true}
        %add3A_285 = arith.constant 5 : i32
        %add3A_286 = arith.addi %mul3A_190, %add3A_285 : i32
        %add3A_287 = arith.constant 0 : i32
        %add3A_288 = arith.addi %add3A_286, %add3A_287 : i32
        %lt3A = arith.constant 157 : i32
        %lt3A_289 = arith.cmpi slt, %add3A_288, %lt3A : i32
        %convert_element_type3A_290 = arith.extui %lt3A_289 : i1 to i32
        %cond3A_291 = arith.constant 0 : i32
        %cond3A_292 = arith.cmpi ne, %convert_element_type3A_290, %cond3A_291 : i32
        scf.if %cond3A_292 {
          %add3A_329 = arith.constant 0 : i32
          %add3A_330 = arith.addi %mul3A_190, %add3A_329 : i32
          %dma_wait3A_331 = arith.constant 0 : i32
          %dma_wait3A_332 = tpu.memref_slice %arg8[%add3A_330, %dma_wait3A_331] : memref<157x128xi32, #tpu.memory_space<vmem>> -> memref<1x128xi32, #tpu.memory_space<vmem>>
          %dma_wait3A_333 = tpu.memref_squeeze %dma_wait3A_332 : memref<1x128xi32, #tpu.memory_space<vmem>> -> memref<128xi32, #tpu.memory_space<vmem>>
          %dma_wait3A_334 = arith.constant 0 : i32
          %dma_wait3A_335 = arith.constant 0 : i32
          %dma_wait3A_336 = tpu.memref_slice %arg14[%dma_wait3A_334, %dma_wait3A_335] : memref<10016x64xf32, #tpu.memory_space<vmem_shared>> -> memref<10016x64xf32, #tpu.memory_space<vmem_shared>>
          tpu.wait_indirect_dma semaphore(%arg20 : memref<!tpu.dma_semaphore, #tpu.memory_space<semaphore_mem>>) src(%arg9 : memref<128x64xf32, #tpu.memory_space<vmem>>) dst(%dma_wait3A_336 : memref<10016x64xf32, #tpu.memory_space<vmem_shared>>)
          %add3A_337 = arith.constant 5 : i32
          %add3A_338 = arith.addi %mul3A_190, %add3A_337 : i32
          %add3A_339 = arith.constant 0 : i32
          %add3A_340 = arith.addi %add3A_338, %add3A_339 : i32
          %dma_start3A_341 = arith.constant 0 : i32
          %dma_start3A_342 = tpu.memref_slice %arg7[%add3A_340, %dma_start3A_341] : memref<157x128xi32, #tpu.memory_space<vmem>> -> memref<1x128xi32, #tpu.memory_space<vmem>>
          %dma_start3A_343 = tpu.memref_squeeze %dma_start3A_342 : memref<1x128xi32, #tpu.memory_space<vmem>> -> memref<128xi32, #tpu.memory_space<vmem>>
          %dma_start3A_344 = arith.constant 1 : i32
          %dma_start3A_345 = arith.constant 0 : i32
          %dma_start3A_346 = tpu.memref_slice %arg3[%dma_start3A_344, %dma_start3A_345] : memref<20000x64xf32, #tpu.memory_space<hbm>> -> memref<19999x64xf32, #tpu.memory_space<hbm>>
          %dma_start3A_347 = arith.constant 0 : i32
          %dma_start3A_348 = arith.constant 0 : i32
          %dma_start3A_349 = tpu.memref_slice %dma_start3A_346[%dma_start3A_347, %dma_start3A_348] : memref<19999x64xf32, #tpu.memory_space<hbm>> -> memref<19999x64xf32, #tpu.memory_space<hbm>>
          tpu.enqueue_indirect_dma source(%dma_start3A_349 : memref<19999x64xf32, #tpu.memory_space<hbm>>) target(%arg9 : memref<128x64xf32, #tpu.memory_space<vmem>>) offsets(%dma_start3A_343 : memref<128xi32, #tpu.memory_space<vmem>>) semaphore(%arg15 : memref<!tpu.dma_semaphore, #tpu.memory_space<semaphore_mem>>)
        } else {
        }
        %add3A_293 = arith.constant 5 : i32
        %add3A_294 = arith.addi %mul3A_190, %add3A_293 : i32
        %add3A_295 = arith.constant 1 : i32
        %add3A_296 = arith.addi %add3A_294, %add3A_295 : i32
        %lt3A_297 = arith.constant 157 : i32
        %lt3A_298 = arith.cmpi slt, %add3A_296, %lt3A_297 : i32
        %convert_element_type3A_299 = arith.extui %lt3A_298 : i1 to i32
        %cond3A_300 = arith.constant 0 : i32
        %cond3A_301 = arith.cmpi ne, %convert_element_type3A_299, %cond3A_300 : i32
        scf.if %cond3A_301 {
          %add3A_329 = arith.constant 1 : i32
          %add3A_330 = arith.addi %mul3A_190, %add3A_329 : i32
          %dma_wait3A_331 = arith.constant 0 : i32
          %dma_wait3A_332 = tpu.memref_slice %arg8[%add3A_330, %dma_wait3A_331] : memref<157x128xi32, #tpu.memory_space<vmem>> -> memref<1x128xi32, #tpu.memory_space<vmem>>
          %dma_wait3A_333 = tpu.memref_squeeze %dma_wait3A_332 : memref<1x128xi32, #tpu.memory_space<vmem>> -> memref<128xi32, #tpu.memory_space<vmem>>
          %dma_wait3A_334 = arith.constant 0 : i32
          %dma_wait3A_335 = arith.constant 0 : i32
          %dma_wait3A_336 = tpu.memref_slice %arg14[%dma_wait3A_334, %dma_wait3A_335] : memref<10016x64xf32, #tpu.memory_space<vmem_shared>> -> memref<10016x64xf32, #tpu.memory_space<vmem_shared>>
          tpu.wait_indirect_dma semaphore(%arg21 : memref<!tpu.dma_semaphore, #tpu.memory_space<semaphore_mem>>) src(%arg10 : memref<128x64xf32, #tpu.memory_space<vmem>>) dst(%dma_wait3A_336 : memref<10016x64xf32, #tpu.memory_space<vmem_shared>>)
          %add3A_337 = arith.constant 5 : i32
          %add3A_338 = arith.addi %mul3A_190, %add3A_337 : i32
          %add3A_339 = arith.constant 1 : i32
          %add3A_340 = arith.addi %add3A_338, %add3A_339 : i32
          %dma_start3A_341 = arith.constant 0 : i32
          %dma_start3A_342 = tpu.memref_slice %arg7[%add3A_340, %dma_start3A_341] : memref<157x128xi32, #tpu.memory_space<vmem>> -> memref<1x128xi32, #tpu.memory_space<vmem>>
          %dma_start3A_343 = tpu.memref_squeeze %dma_start3A_342 : memref<1x128xi32, #tpu.memory_space<vmem>> -> memref<128xi32, #tpu.memory_space<vmem>>
          %dma_start3A_344 = arith.constant 1 : i32
          %dma_start3A_345 = arith.constant 0 : i32
          %dma_start3A_346 = tpu.memref_slice %arg3[%dma_start3A_344, %dma_start3A_345] : memref<20000x64xf32, #tpu.memory_space<hbm>> -> memref<19999x64xf32, #tpu.memory_space<hbm>>
          %dma_start3A_347 = arith.constant 0 : i32
          %dma_start3A_348 = arith.constant 0 : i32
          %dma_start3A_349 = tpu.memref_slice %dma_start3A_346[%dma_start3A_347, %dma_start3A_348] : memref<19999x64xf32, #tpu.memory_space<hbm>> -> memref<19999x64xf32, #tpu.memory_space<hbm>>
          tpu.enqueue_indirect_dma source(%dma_start3A_349 : memref<19999x64xf32, #tpu.memory_space<hbm>>) target(%arg10 : memref<128x64xf32, #tpu.memory_space<vmem>>) offsets(%dma_start3A_343 : memref<128xi32, #tpu.memory_space<vmem>>) semaphore(%arg16 : memref<!tpu.dma_semaphore, #tpu.memory_space<semaphore_mem>>)
        } else {
        }
        %add3A_302 = arith.constant 5 : i32
        %add3A_303 = arith.addi %mul3A_190, %add3A_302 : i32
        %add3A_304 = arith.constant 2 : i32
        %add3A_305 = arith.addi %add3A_303, %add3A_304 : i32
        %lt3A_306 = arith.constant 157 : i32
        %lt3A_307 = arith.cmpi slt, %add3A_305, %lt3A_306 : i32
        %convert_element_type3A_308 = arith.extui %lt3A_307 : i1 to i32
        %cond3A_309 = arith.constant 0 : i32
        %cond3A_310 = arith.cmpi ne, %convert_element_type3A_308, %cond3A_309 : i32
        scf.if %cond3A_310 {
          %add3A_329 = arith.constant 2 : i32
          %add3A_330 = arith.addi %mul3A_190, %add3A_329 : i32
          %dma_wait3A_331 = arith.constant 0 : i32
          %dma_wait3A_332 = tpu.memref_slice %arg8[%add3A_330, %dma_wait3A_331] : memref<157x128xi32, #tpu.memory_space<vmem>> -> memref<1x128xi32, #tpu.memory_space<vmem>>
          %dma_wait3A_333 = tpu.memref_squeeze %dma_wait3A_332 : memref<1x128xi32, #tpu.memory_space<vmem>> -> memref<128xi32, #tpu.memory_space<vmem>>
          %dma_wait3A_334 = arith.constant 0 : i32
          %dma_wait3A_335 = arith.constant 0 : i32
          %dma_wait3A_336 = tpu.memref_slice %arg14[%dma_wait3A_334, %dma_wait3A_335] : memref<10016x64xf32, #tpu.memory_space<vmem_shared>> -> memref<10016x64xf32, #tpu.memory_space<vmem_shared>>
          tpu.wait_indirect_dma semaphore(%arg22 : memref<!tpu.dma_semaphore, #tpu.memory_space<semaphore_mem>>) src(%arg11 : memref<128x64xf32, #tpu.memory_space<vmem>>) dst(%dma_wait3A_336 : memref<10016x64xf32, #tpu.memory_space<vmem_shared>>)
          %add3A_337 = arith.constant 5 : i32
          %add3A_338 = arith.addi %mul3A_190, %add3A_337 : i32
          %add3A_339 = arith.constant 2 : i32
          %add3A_340 = arith.addi %add3A_338, %add3A_339 : i32
          %dma_start3A_341 = arith.constant 0 : i32
          %dma_start3A_342 = tpu.memref_slice %arg7[%add3A_340, %dma_start3A_341] : memref<157x128xi32, #tpu.memory_space<vmem>> -> memref<1x128xi32, #tpu.memory_space<vmem>>
          %dma_start3A_343 = tpu.memref_squeeze %dma_start3A_342 : memref<1x128xi32, #tpu.memory_space<vmem>> -> memref<128xi32, #tpu.memory_space<vmem>>
          %dma_start3A_344 = arith.constant 1 : i32
          %dma_start3A_345 = arith.constant 0 : i32
          %dma_start3A_346 = tpu.memref_slice %arg3[%dma_start3A_344, %dma_start3A_345] : memref<20000x64xf32, #tpu.memory_space<hbm>> -> memref<19999x64xf32, #tpu.memory_space<hbm>>
          %dma_start3A_347 = arith.constant 0 : i32
          %dma_start3A_348 = arith.constant 0 : i32
          %dma_start3A_349 = tpu.memref_slice %dma_start3A_346[%dma_start3A_347, %dma_start3A_348] : memref<19999x64xf32, #tpu.memory_space<hbm>> -> memref<19999x64xf32, #tpu.memory_space<hbm>>
          tpu.enqueue_indirect_dma source(%dma_start3A_349 : memref<19999x64xf32, #tpu.memory_space<hbm>>) target(%arg11 : memref<128x64xf32, #tpu.memory_space<vmem>>) offsets(%dma_start3A_343 : memref<128xi32, #tpu.memory_space<vmem>>) semaphore(%arg17 : memref<!tpu.dma_semaphore, #tpu.memory_space<semaphore_mem>>)
        } else {
        }
        %add3A_311 = arith.constant 5 : i32
        %add3A_312 = arith.addi %mul3A_190, %add3A_311 : i32
        %add3A_313 = arith.constant 3 : i32
        %add3A_314 = arith.addi %add3A_312, %add3A_313 : i32
        %lt3A_315 = arith.constant 157 : i32
        %lt3A_316 = arith.cmpi slt, %add3A_314, %lt3A_315 : i32
        %convert_element_type3A_317 = arith.extui %lt3A_316 : i1 to i32
        %cond3A_318 = arith.constant 0 : i32
        %cond3A_319 = arith.cmpi ne, %convert_element_type3A_317, %cond3A_318 : i32
        scf.if %cond3A_319 {
          %add3A_329 = arith.constant 3 : i32
          %add3A_330 = arith.addi %mul3A_190, %add3A_329 : i32
          %dma_wait3A_331 = arith.constant 0 : i32
          %dma_wait3A_332 = tpu.memref_slice %arg8[%add3A_330, %dma_wait3A_331] : memref<157x128xi32, #tpu.memory_space<vmem>> -> memref<1x128xi32, #tpu.memory_space<vmem>>
          %dma_wait3A_333 = tpu.memref_squeeze %dma_wait3A_332 : memref<1x128xi32, #tpu.memory_space<vmem>> -> memref<128xi32, #tpu.memory_space<vmem>>
          %dma_wait3A_334 = arith.constant 0 : i32
          %dma_wait3A_335 = arith.constant 0 : i32
          %dma_wait3A_336 = tpu.memref_slice %arg14[%dma_wait3A_334, %dma_wait3A_335] : memref<10016x64xf32, #tpu.memory_space<vmem_shared>> -> memref<10016x64xf32, #tpu.memory_space<vmem_shared>>
          tpu.wait_indirect_dma semaphore(%arg23 : memref<!tpu.dma_semaphore, #tpu.memory_space<semaphore_mem>>) src(%arg12 : memref<128x64xf32, #tpu.memory_space<vmem>>) dst(%dma_wait3A_336 : memref<10016x64xf32, #tpu.memory_space<vmem_shared>>)
          %add3A_337 = arith.constant 5 : i32
          %add3A_338 = arith.addi %mul3A_190, %add3A_337 : i32
          %add3A_339 = arith.constant 3 : i32
          %add3A_340 = arith.addi %add3A_338, %add3A_339 : i32
          %dma_start3A_341 = arith.constant 0 : i32
          %dma_start3A_342 = tpu.memref_slice %arg7[%add3A_340, %dma_start3A_341] : memref<157x128xi32, #tpu.memory_space<vmem>> -> memref<1x128xi32, #tpu.memory_space<vmem>>
          %dma_start3A_343 = tpu.memref_squeeze %dma_start3A_342 : memref<1x128xi32, #tpu.memory_space<vmem>> -> memref<128xi32, #tpu.memory_space<vmem>>
          %dma_start3A_344 = arith.constant 1 : i32
          %dma_start3A_345 = arith.constant 0 : i32
          %dma_start3A_346 = tpu.memref_slice %arg3[%dma_start3A_344, %dma_start3A_345] : memref<20000x64xf32, #tpu.memory_space<hbm>> -> memref<19999x64xf32, #tpu.memory_space<hbm>>
          %dma_start3A_347 = arith.constant 0 : i32
          %dma_start3A_348 = arith.constant 0 : i32
          %dma_start3A_349 = tpu.memref_slice %dma_start3A_346[%dma_start3A_347, %dma_start3A_348] : memref<19999x64xf32, #tpu.memory_space<hbm>> -> memref<19999x64xf32, #tpu.memory_space<hbm>>
          tpu.enqueue_indirect_dma source(%dma_start3A_349 : memref<19999x64xf32, #tpu.memory_space<hbm>>) target(%arg12 : memref<128x64xf32, #tpu.memory_space<vmem>>) offsets(%dma_start3A_343 : memref<128xi32, #tpu.memory_space<vmem>>) semaphore(%arg18 : memref<!tpu.dma_semaphore, #tpu.memory_space<semaphore_mem>>)
        } else {
        }
        %add3A_320 = arith.constant 5 : i32
        %add3A_321 = arith.addi %mul3A_190, %add3A_320 : i32
        %add3A_322 = arith.constant 4 : i32
        %add3A_323 = arith.addi %add3A_321, %add3A_322 : i32
        %lt3A_324 = arith.constant 157 : i32
        %lt3A_325 = arith.cmpi slt, %add3A_323, %lt3A_324 : i32
        %convert_element_type3A_326 = arith.extui %lt3A_325 : i1 to i32
        %cond3A_327 = arith.constant 0 : i32
        %cond3A_328 = arith.cmpi ne, %convert_element_type3A_326, %cond3A_327 : i32
        scf.if %cond3A_328 {
          %add3A_329 = arith.constant 4 : i32
          %add3A_330 = arith.addi %mul3A_190, %add3A_329 : i32
          %dma_wait3A_331 = arith.constant 0 : i32
          %dma_wait3A_332 = tpu.memref_slice %arg8[%add3A_330, %dma_wait3A_331] : memref<157x128xi32, #tpu.memory_space<vmem>> -> memref<1x128xi32, #tpu.memory_space<vmem>>
          %dma_wait3A_333 = tpu.memref_squeeze %dma_wait3A_332 : memref<1x128xi32, #tpu.memory_space<vmem>> -> memref<128xi32, #tpu.memory_space<vmem>>
          %dma_wait3A_334 = arith.constant 0 : i32
          %dma_wait3A_335 = arith.constant 0 : i32
          %dma_wait3A_336 = tpu.memref_slice %arg14[%dma_wait3A_334, %dma_wait3A_335] : memref<10016x64xf32, #tpu.memory_space<vmem_shared>> -> memref<10016x64xf32, #tpu.memory_space<vmem_shared>>
          tpu.wait_indirect_dma semaphore(%arg24 : memref<!tpu.dma_semaphore, #tpu.memory_space<semaphore_mem>>) src(%arg13 : memref<128x64xf32, #tpu.memory_space<vmem>>) dst(%dma_wait3A_336 : memref<10016x64xf32, #tpu.memory_space<vmem_shared>>)
          %add3A_337 = arith.constant 5 : i32
          %add3A_338 = arith.addi %mul3A_190, %add3A_337 : i32
          %add3A_339 = arith.constant 4 : i32
          %add3A_340 = arith.addi %add3A_338, %add3A_339 : i32
          %dma_start3A_341 = arith.constant 0 : i32
          %dma_start3A_342 = tpu.memref_slice %arg7[%add3A_340, %dma_start3A_341] : memref<157x128xi32, #tpu.memory_space<vmem>> -> memref<1x128xi32, #tpu.memory_space<vmem>>
          %dma_start3A_343 = tpu.memref_squeeze %dma_start3A_342 : memref<1x128xi32, #tpu.memory_space<vmem>> -> memref<128xi32, #tpu.memory_space<vmem>>
          %dma_start3A_344 = arith.constant 1 : i32
          %dma_start3A_345 = arith.constant 0 : i32
          %dma_start3A_346 = tpu.memref_slice %arg3[%dma_start3A_344, %dma_start3A_345] : memref<20000x64xf32, #tpu.memory_space<hbm>> -> memref<19999x64xf32, #tpu.memory_space<hbm>>
          %dma_start3A_347 = arith.constant 0 : i32
          %dma_start3A_348 = arith.constant 0 : i32
          %dma_start3A_349 = tpu.memref_slice %dma_start3A_346[%dma_start3A_347, %dma_start3A_348] : memref<19999x64xf32, #tpu.memory_space<hbm>> -> memref<19999x64xf32, #tpu.memory_space<hbm>>
          tpu.enqueue_indirect_dma source(%dma_start3A_349 : memref<19999x64xf32, #tpu.memory_space<hbm>>) target(%arg13 : memref<128x64xf32, #tpu.memory_space<vmem>>) offsets(%dma_start3A_343 : memref<128xi32, #tpu.memory_space<vmem>>) semaphore(%arg19 : memref<!tpu.dma_semaphore, #tpu.memory_space<semaphore_mem>>)
        } else {
        }
      }
      %scan3A_108 = arith.constant 31 : i32
      %dma_wait3A_109 = arith.constant 155 : i32
      %dma_wait3A_110 = arith.constant 0 : i32
      %dma_wait3A_111 = tpu.memref_slice %arg7[%dma_wait3A_109, %dma_wait3A_110] : memref<157x128xi32, #tpu.memory_space<vmem>> -> memref<1x128xi32, #tpu.memory_space<vmem>>
      %dma_wait3A_112 = tpu.memref_squeeze %dma_wait3A_111 : memref<1x128xi32, #tpu.memory_space<vmem>> -> memref<128xi32, #tpu.memory_space<vmem>>
      %dma_wait3A_113 = arith.constant 1 : i32
      %dma_wait3A_114 = arith.constant 0 : i32
      %dma_wait3A_115 = tpu.memref_slice %arg3[%dma_wait3A_113, %dma_wait3A_114] : memref<20000x64xf32, #tpu.memory_space<hbm>> -> memref<19999x64xf32, #tpu.memory_space<hbm>>
      %dma_wait3A_116 = arith.constant 0 : i32
      %dma_wait3A_117 = arith.constant 0 : i32
      %dma_wait3A_118 = tpu.memref_slice %dma_wait3A_115[%dma_wait3A_116, %dma_wait3A_117] : memref<19999x64xf32, #tpu.memory_space<hbm>> -> memref<19999x64xf32, #tpu.memory_space<hbm>>
      tpu.wait_indirect_dma semaphore(%arg15 : memref<!tpu.dma_semaphore, #tpu.memory_space<semaphore_mem>>) src(%dma_wait3A_118 : memref<19999x64xf32, #tpu.memory_space<hbm>>) dst(%arg9 : memref<128x64xf32, #tpu.memory_space<vmem>>)
      %dma_start3A_119 = arith.constant 155 : i32
      %dma_start3A_120 = arith.constant 0 : i32
      %dma_start3A_121 = tpu.memref_slice %arg8[%dma_start3A_119, %dma_start3A_120] : memref<157x128xi32, #tpu.memory_space<vmem>> -> memref<1x128xi32, #tpu.memory_space<vmem>>
      %dma_start3A_122 = tpu.memref_squeeze %dma_start3A_121 : memref<1x128xi32, #tpu.memory_space<vmem>> -> memref<128xi32, #tpu.memory_space<vmem>>
      %dma_start3A_123 = arith.constant 0 : i32
      %dma_start3A_124 = arith.constant 0 : i32
      %dma_start3A_125 = tpu.memref_slice %arg14[%dma_start3A_123, %dma_start3A_124] : memref<10016x64xf32, #tpu.memory_space<vmem_shared>> -> memref<10016x64xf32, #tpu.memory_space<vmem_shared>>
      tpu.enqueue_indirect_dma source(%arg9 : memref<128x64xf32, #tpu.memory_space<vmem>>) target(%dma_start3A_125 : memref<10016x64xf32, #tpu.memory_space<vmem_shared>>) offsets(%dma_start3A_122 : memref<128xi32, #tpu.memory_space<vmem>>) semaphore(%arg20 : memref<!tpu.dma_semaphore, #tpu.memory_space<semaphore_mem>>) {add = true}
      %dma_wait3A_126 = arith.constant 156 : i32
      %dma_wait3A_127 = arith.constant 0 : i32
      %dma_wait3A_128 = tpu.memref_slice %arg7[%dma_wait3A_126, %dma_wait3A_127] : memref<157x128xi32, #tpu.memory_space<vmem>> -> memref<1x128xi32, #tpu.memory_space<vmem>>
      %dma_wait3A_129 = tpu.memref_squeeze %dma_wait3A_128 : memref<1x128xi32, #tpu.memory_space<vmem>> -> memref<128xi32, #tpu.memory_space<vmem>>
      %dma_wait3A_130 = arith.constant 1 : i32
      %dma_wait3A_131 = arith.constant 0 : i32
      %dma_wait3A_132 = tpu.memref_slice %arg3[%dma_wait3A_130, %dma_wait3A_131] : memref<20000x64xf32, #tpu.memory_space<hbm>> -> memref<19999x64xf32, #tpu.memory_space<hbm>>
      %dma_wait3A_133 = arith.constant 0 : i32
      %dma_wait3A_134 = arith.constant 0 : i32
      %dma_wait3A_135 = tpu.memref_slice %dma_wait3A_132[%dma_wait3A_133, %dma_wait3A_134] : memref<19999x64xf32, #tpu.memory_space<hbm>> -> memref<19999x64xf32, #tpu.memory_space<hbm>>
      tpu.wait_indirect_dma semaphore(%arg16 : memref<!tpu.dma_semaphore, #tpu.memory_space<semaphore_mem>>) src(%dma_wait3A_135 : memref<19999x64xf32, #tpu.memory_space<hbm>>) dst(%arg10 : memref<128x64xf32, #tpu.memory_space<vmem>>)
      %dma_start3A_136 = arith.constant 156 : i32
      %dma_start3A_137 = arith.constant 0 : i32
      %dma_start3A_138 = tpu.memref_slice %arg8[%dma_start3A_136, %dma_start3A_137] : memref<157x128xi32, #tpu.memory_space<vmem>> -> memref<1x128xi32, #tpu.memory_space<vmem>>
      %dma_start3A_139 = tpu.memref_squeeze %dma_start3A_138 : memref<1x128xi32, #tpu.memory_space<vmem>> -> memref<128xi32, #tpu.memory_space<vmem>>
      %dma_start3A_140 = arith.constant 0 : i32
      %dma_start3A_141 = arith.constant 0 : i32
      %dma_start3A_142 = tpu.memref_slice %arg14[%dma_start3A_140, %dma_start3A_141] : memref<10016x64xf32, #tpu.memory_space<vmem_shared>> -> memref<10016x64xf32, #tpu.memory_space<vmem_shared>>
      tpu.enqueue_indirect_dma source(%arg10 : memref<128x64xf32, #tpu.memory_space<vmem>>) target(%dma_start3A_142 : memref<10016x64xf32, #tpu.memory_space<vmem_shared>>) offsets(%dma_start3A_139 : memref<128xi32, #tpu.memory_space<vmem>>) semaphore(%arg21 : memref<!tpu.dma_semaphore, #tpu.memory_space<semaphore_mem>>) {add = true}
      %dma_wait3A_143 = arith.constant 0 : i32
      %dma_wait3A_144 = arith.constant 0 : i32
      %dma_wait3A_145 = tpu.memref_slice %arg8[%dma_wait3A_143, %dma_wait3A_144] : memref<157x128xi32, #tpu.memory_space<vmem>> -> memref<1x128xi32, #tpu.memory_space<vmem>>
      %dma_wait3A_146 = tpu.memref_squeeze %dma_wait3A_145 : memref<1x128xi32, #tpu.memory_space<vmem>> -> memref<128xi32, #tpu.memory_space<vmem>>
      %dma_wait3A_147 = arith.constant 0 : i32
      %dma_wait3A_148 = arith.constant 0 : i32
      %dma_wait3A_149 = tpu.memref_slice %arg14[%dma_wait3A_147, %dma_wait3A_148] : memref<10016x64xf32, #tpu.memory_space<vmem_shared>> -> memref<10016x64xf32, #tpu.memory_space<vmem_shared>>
      tpu.wait_indirect_dma semaphore(%arg20 : memref<!tpu.dma_semaphore, #tpu.memory_space<semaphore_mem>>) src(%arg9 : memref<128x64xf32, #tpu.memory_space<vmem>>) dst(%dma_wait3A_149 : memref<10016x64xf32, #tpu.memory_space<vmem_shared>>)
      %dma_wait3A_150 = arith.constant 0 : i32
      %dma_wait3A_151 = arith.constant 0 : i32
      %dma_wait3A_152 = tpu.memref_slice %arg8[%dma_wait3A_150, %dma_wait3A_151] : memref<157x128xi32, #tpu.memory_space<vmem>> -> memref<1x128xi32, #tpu.memory_space<vmem>>
      %dma_wait3A_153 = tpu.memref_squeeze %dma_wait3A_152 : memref<1x128xi32, #tpu.memory_space<vmem>> -> memref<128xi32, #tpu.memory_space<vmem>>
      %dma_wait3A_154 = arith.constant 0 : i32
      %dma_wait3A_155 = arith.constant 0 : i32
      %dma_wait3A_156 = tpu.memref_slice %arg14[%dma_wait3A_154, %dma_wait3A_155] : memref<10016x64xf32, #tpu.memory_space<vmem_shared>> -> memref<10016x64xf32, #tpu.memory_space<vmem_shared>>
      tpu.wait_indirect_dma semaphore(%arg21 : memref<!tpu.dma_semaphore, #tpu.memory_space<semaphore_mem>>) src(%arg10 : memref<128x64xf32, #tpu.memory_space<vmem>>) dst(%dma_wait3A_156 : memref<10016x64xf32, #tpu.memory_space<vmem_shared>>)
      %dma_wait3A_157 = arith.constant 0 : i32
      %dma_wait3A_158 = arith.constant 0 : i32
      %dma_wait3A_159 = tpu.memref_slice %arg8[%dma_wait3A_157, %dma_wait3A_158] : memref<157x128xi32, #tpu.memory_space<vmem>> -> memref<1x128xi32, #tpu.memory_space<vmem>>
      %dma_wait3A_160 = tpu.memref_squeeze %dma_wait3A_159 : memref<1x128xi32, #tpu.memory_space<vmem>> -> memref<128xi32, #tpu.memory_space<vmem>>
      %dma_wait3A_161 = arith.constant 0 : i32
      %dma_wait3A_162 = arith.constant 0 : i32
      %dma_wait3A_163 = tpu.memref_slice %arg14[%dma_wait3A_161, %dma_wait3A_162] : memref<10016x64xf32, #tpu.memory_space<vmem_shared>> -> memref<10016x64xf32, #tpu.memory_space<vmem_shared>>
      tpu.wait_indirect_dma semaphore(%arg22 : memref<!tpu.dma_semaphore, #tpu.memory_space<semaphore_mem>>) src(%arg11 : memref<128x64xf32, #tpu.memory_space<vmem>>) dst(%dma_wait3A_163 : memref<10016x64xf32, #tpu.memory_space<vmem_shared>>)
      %dma_wait3A_164 = arith.constant 0 : i32
      %dma_wait3A_165 = arith.constant 0 : i32
      %dma_wait3A_166 = tpu.memref_slice %arg8[%dma_wait3A_164, %dma_wait3A_165] : memref<157x128xi32, #tpu.memory_space<vmem>> -> memref<1x128xi32, #tpu.memory_space<vmem>>
      %dma_wait3A_167 = tpu.memref_squeeze %dma_wait3A_166 : memref<1x128xi32, #tpu.memory_space<vmem>> -> memref<128xi32, #tpu.memory_space<vmem>>
      %dma_wait3A_168 = arith.constant 0 : i32
      %dma_wait3A_169 = arith.constant 0 : i32
      %dma_wait3A_170 = tpu.memref_slice %arg14[%dma_wait3A_168, %dma_wait3A_169] : memref<10016x64xf32, #tpu.memory_space<vmem_shared>> -> memref<10016x64xf32, #tpu.memory_space<vmem_shared>>
      tpu.wait_indirect_dma semaphore(%arg23 : memref<!tpu.dma_semaphore, #tpu.memory_space<semaphore_mem>>) src(%arg12 : memref<128x64xf32, #tpu.memory_space<vmem>>) dst(%dma_wait3A_170 : memref<10016x64xf32, #tpu.memory_space<vmem_shared>>)
      %dma_wait3A_171 = arith.constant 0 : i32
      %dma_wait3A_172 = arith.constant 0 : i32
      %dma_wait3A_173 = tpu.memref_slice %arg8[%dma_wait3A_171, %dma_wait3A_172] : memref<157x128xi32, #tpu.memory_space<vmem>> -> memref<1x128xi32, #tpu.memory_space<vmem>>
      %dma_wait3A_174 = tpu.memref_squeeze %dma_wait3A_173 : memref<1x128xi32, #tpu.memory_space<vmem>> -> memref<128xi32, #tpu.memory_space<vmem>>
      %dma_wait3A_175 = arith.constant 0 : i32
      %dma_wait3A_176 = arith.constant 0 : i32
      %dma_wait3A_177 = tpu.memref_slice %arg14[%dma_wait3A_175, %dma_wait3A_176] : memref<10016x64xf32, #tpu.memory_space<vmem_shared>> -> memref<10016x64xf32, #tpu.memory_space<vmem_shared>>
      tpu.wait_indirect_dma semaphore(%arg24 : memref<!tpu.dma_semaphore, #tpu.memory_space<semaphore_mem>>) src(%arg13 : memref<128x64xf32, #tpu.memory_space<vmem>>) dst(%dma_wait3A_177 : memref<10016x64xf32, #tpu.memory_space<vmem_shared>>)
      %barrier3A_178 = arith.constant 0 : index
      tpu.barrier barrier_id(%barrier3A_178)
      %mul3A_179 = arith.constant 624 : i32
      %mul3A_180 = arith.muli %arg1, %mul3A_179 : i32
      %mul3A_181 = arith.constant 624 : i32
      %mul3A_182 = arith.muli %arg1, %mul3A_181 : i32
      "tpu.region"() ({
        %run_scoped3A = tpu.sem_alloc : memref<!tpu.dma_semaphore, #tpu.memory_space<semaphore_mem>>
        %dma_start3A_188 = arith.constant 64 : i32
        %dma_start3A_189 = tpu.memref_slice %arg6[%mul3A_182, %dma_start3A_188] : memref<10000x128xf32, #tpu.memory_space<hbm>> -> memref<624x64xf32, #tpu.memory_space<hbm>>
        %dma_start3A_190 = arith.constant 0 : i32
        %dma_start3A_191 = tpu.memref_slice %arg14[%mul3A_180, %dma_start3A_190] : memref<10016x64xf32, #tpu.memory_space<vmem_shared>> -> memref<624x64xf32, #tpu.memory_space<vmem_shared>>
        tpu.enqueue_dma source(%dma_start3A_191 : memref<624x64xf32, #tpu.memory_space<vmem_shared>>) target(%dma_start3A_189 : memref<624x64xf32, #tpu.memory_space<hbm>>) target_semaphore(%run_scoped3A : memref<!tpu.dma_semaphore, #tpu.memory_space<semaphore_mem>>)
        %dma_wait3A_192 = arith.constant 64 : i32
        %dma_wait3A_193 = tpu.memref_slice %arg6[%mul3A_182, %dma_wait3A_192] : memref<10000x128xf32, #tpu.memory_space<hbm>> -> memref<624x64xf32, #tpu.memory_space<hbm>>
        %dma_wait3A_194 = arith.constant 0 : i32
        %dma_wait3A_195 = tpu.memref_slice %arg14[%mul3A_180, %dma_wait3A_194] : memref<10016x64xf32, #tpu.memory_space<vmem_shared>> -> memref<624x64xf32, #tpu.memory_space<vmem_shared>>
        tpu.wait_dma2 semaphore(%run_scoped3A : memref<!tpu.dma_semaphore, #tpu.memory_space<semaphore_mem>>) src(%dma_wait3A_195 : memref<624x64xf32, #tpu.memory_space<vmem_shared>>) dst(%dma_wait3A_193 : memref<624x64xf32, #tpu.memory_space<hbm>>)
        tpu.yield
      }) : () -> ()
      %eq3A_183 = arith.constant 0 : i32
      %eq3A_184 = arith.cmpi eq, %arg1, %eq3A_183 : i32
      %convert_element_type3A_185 = arith.extui %eq3A_184 : i1 to i32
      %cond3A_186 = arith.constant 0 : i32
      %cond3A_187 = arith.cmpi ne, %convert_element_type3A_185, %cond3A_186 : i32
      scf.if %cond3A_187 {
        "tpu.region"() ({
          %run_scoped3A = tpu.sem_alloc : memref<!tpu.dma_semaphore, #tpu.memory_space<semaphore_mem>>
          %dma_start3A_188 = arith.constant 9984 : i32
          %dma_start3A_189 = arith.constant 64 : i32
          %dma_start3A_190 = tpu.memref_slice %arg6[%dma_start3A_188, %dma_start3A_189] : memref<10000x128xf32, #tpu.memory_space<hbm>> -> memref<16x64xf32, #tpu.memory_space<hbm>>
          %dma_start3A_191 = arith.constant 9984 : i32
          %dma_start3A_192 = arith.constant 0 : i32
          %dma_start3A_193 = tpu.memref_slice %arg14[%dma_start3A_191, %dma_start3A_192] : memref<10016x64xf32, #tpu.memory_space<vmem_shared>> -> memref<16x64xf32, #tpu.memory_space<vmem_shared>>
          tpu.enqueue_dma source(%dma_start3A_193 : memref<16x64xf32, #tpu.memory_space<vmem_shared>>) target(%dma_start3A_190 : memref<16x64xf32, #tpu.memory_space<hbm>>) target_semaphore(%run_scoped3A : memref<!tpu.dma_semaphore, #tpu.memory_space<semaphore_mem>>)
          %dma_wait3A_194 = arith.constant 9984 : i32
          %dma_wait3A_195 = arith.constant 64 : i32
          %dma_wait3A_196 = tpu.memref_slice %arg6[%dma_wait3A_194, %dma_wait3A_195] : memref<10000x128xf32, #tpu.memory_space<hbm>> -> memref<16x64xf32, #tpu.memory_space<hbm>>
          %dma_wait3A_197 = arith.constant 9984 : i32
          %dma_wait3A_198 = arith.constant 0 : i32
          %dma_wait3A_199 = tpu.memref_slice %arg14[%dma_wait3A_197, %dma_wait3A_198] : memref<10016x64xf32, #tpu.memory_space<vmem_shared>> -> memref<16x64xf32, #tpu.memory_space<vmem_shared>>
          tpu.wait_dma2 semaphore(%run_scoped3A : memref<!tpu.dma_semaphore, #tpu.memory_space<semaphore_mem>>) src(%dma_wait3A_199 : memref<16x64xf32, #tpu.memory_space<vmem_shared>>) dst(%dma_wait3A_196 : memref<16x64xf32, #tpu.memory_space<hbm>>)
          tpu.yield
        }) : () -> ()
      } else {
      }
    } else {
    }
    return
  }
}

</mosaic_0001>

<sc_bundles>
// kernel: kernel.3.cloned.1.call-start
scs
__scs_entry_jumppad:
0x0: {  	(pc) =	sbr.rel $0x88, $3  }
0x1: {  	(tag) =	ssettag $0x0;
	lr =	simm.s32 $0x1  }
0x2: {  	[smem:$0x3F9F] =	sst lr;
	_ =	strace $0xD0000000  }
0x3: {  	_ = 	snop  }
0x4: {  	_ = 	snop  }
0x5: {  	_ = 	snop  }
0x6: {  	_ = 	snop  }
0x7: {  	_ = 	snop  }
__scs_overlays_trampoline_lowered:
0x8: {  	[smem:$0x3FAE] =	sst s0  }
0x9: {  	[smem:$0x3FAF] =	sst s1  }
0xa: {  	[smem:$0x3FB0] =	sst s2  }
0xb: {  	[smem:$0x3FB1] =	sst s3  }
0xc: {  	[smem:$0x3FB2] =	sst s4  }
0xd: {  	[smem:$0x3FB3] =	sst s5  }
0xe: {  	[smem:$0x3FB4] =	sst s6  }
0xf: {  	[smem:$0x3FB5] =	sst s7  }
0x10: {  	[smem:$0x3FB6] =	sst s8  }
0x11: {  	[smem:$0x3FB7] =	sst s9;
	s0 =	simm.s32 @!p0 $0x0  }
0x12: {  	s1 =	sld [smem:$0x3F9D];
	s0 =	simm.s32 @p0 $0x1  }
0x13: {  	[smem:$0x3FB8] =	sst s0;
	s0 =	simm.s32 @!p1 $0x0  }
0x14: {  	s2 =	sld [smem:$0x3F9C];
	s0 =	simm.s32 @p1 $0x1  }
0x15: {  	[smem:$0x3FB9] =	sst s0;
	s0 =	simm.s32 @!p2 $0x0  }
0x16: {  	s3 =	sld [smem:$0x3FDB];
	s0 =	simm.s32 @p2 $0x1  }
0x17: {  	s4 =	simm.s32 $0x1BF5;
	[smem:$0x3FBB] =	sst s0  }
0x18: {  	s0 =	sld [smem:$0x3F9E];
	_ =	swait.ge [sflag:s4], $0x0  }
0x19: {  	s7 =	sld [smem:$0x3F9F]  }
0x1a: {  	s8 =	sadd.s32 $0xFFFFE003, lr  }
0x1b: {  	s9 =	sadd.s32 $0xFFFFFEF7, lr;
	s5 =	simm.s32 $0xFFFFFFFF;
	p2 =	slt.u32 s8, $0xFFFFF086  }
0x1c: {  	p1 =	slt.u32 s9, $0xF7A;
	s5 =	simm.s32 @!p2 $0x0  }
0x1d: {  	s5 =	simm.s32 @p1 $0x1;
	p0 =	seq.s32 s7, s2  }
0x1e: {  	s7 =	smul.u32 @!p0 $0xF7A, s2;
	p2 =	seq.s32 @!p0 s5, $0x0  }
0x1f: {  	s9 =	smul.u32 $0xF7A, s1;
	s8 =	simm.s32 @!p0 $0x1BF5;
	p2 =	por !p2, p0  }
0x20: {  	[sflag:s8] =	ssyncset.s32 @!p0 $0xFFFFF086;
	s6 =	sadd.s32 @!p0 s3, s7;
	s7 =	simm.s32 @!p0 $0x108  }
0x21: {  	s3 =	sadd.s32 s3, s9;
	s6 =	sadd.s32 @!p0 $0x88, s6;
	s7 =	simm.s32 @p2 $0x1082  }
0x22: {  	[simem:s7], [sflag:s8] =	dma.local @!p0 [hbm:s6], $0xF7A  }
0x23: {  	s9 =	sor.u32 $0xD0000000, s2;
	s6 =	simm.s32 $0x108;
	_ =	swait.ge @!p0 [sflag:s8], $0x0  }
0x24: {  	s3 =	sadd.s32 $0x88, s3;
	s6 =	simm.s32 @!p1 $0x1082;
	[sflag:s4] =	ssyncset.s32 $0xFFFFF086  }
0x25: {  	[simem:s6], [sflag:s4] =	dma.local [hbm:s3], $0xF7A  }
0x26: {  	[smem:$0x3F9F] =	sst s1;
	(tag) =	ssettag s2;
	_ =	strace s9  }
0x27: {  	s1 =	sld [smem:$0x3FAF]  }
0x28: {  	s2 =	sld [smem:$0x3FB0]  }
0x29: {  	s4 =	sld [smem:$0x3FB2]  }
0x2a: {  	p0 =	seq.s32 s5, $0x0;
	s5 =	sld [smem:$0x3FB3]  }
0x2b: {  	s6 =	sld [smem:$0x3FB4]  }
0x2c: {  	s7 =	sld [smem:$0x3FB5]  }
0x2d: {  	s3 =	simm.s32 $0x108;
	s8 =	sld [smem:$0x3FB6]  }
0x2e: {  	s3 =	simm.s32 @!p0 $0x1082;
	s9 =	sld [smem:$0x3FB7]  }
0x2f: {  	lr =	sadd.s32 s0, s3;
	s0 =	sld [smem:$0x3FAE]  }
0x30: {  	s3 =	sld [smem:$0x3FB1]  }
0x31: {  	[smem:$0x3FBA] =	sst s10  }
0x32: {  	s10 =	sld [smem:$0x3FB8];
	_ =	sdelay $0x3  }
0x33: {  	p0 =	seq.s32 s10, $0x1;
	s10 =	sld [smem:$0x3FBA];
	_ =	sdelay $0x3  }
0x34: {  	[smem:$0x3FBA] =	sst s10  }
0x35: {  	s10 =	sld [smem:$0x3FB9];
	_ =	sdelay $0x3  }
0x36: {  	p1 =	seq.s32 s10, $0x1;
	s10 =	sld [smem:$0x3FBA];
	_ =	sdelay $0x3  }
0x37: {  	[smem:$0x3FBA] =	sst s10  }
0x38: {  	s10 =	sld [smem:$0x3FBB]  }
0x39: {  	_ = 	snop;
	(pc) =	sbr.ind lr, $3  }
0x3a: {  	_ = 	snop  }
0x3b: {  	_ = 	snop  }
0x3c: {  	p2 =	seq.s32 s10, $0x1;
	s10 =	sld [smem:$0x3FBA]  }
0x3d: {  	_ =	shalt  }
0x3e: {  	_ =	shalt  }
0x3f: {  	_ =	shalt  }
0x40: {  	_ =	shalt  }
0x41: {  	_ =	shalt  }
0x42: {  	_ =	shalt  }
0x43: {  	_ =	shalt  }
0x44: {  	_ =	shalt  }
0x45: {  	_ =	shalt  }
0x46: {  	_ =	shalt  }
0x47: {  	_ =	shalt  }
0x48: {  	_ =	shalt  }
0x49: {  	_ =	shalt  }
0x4a: {  	_ =	shalt  }
0x4b: {  	_ =	shalt  }
0x4c: {  	_ =	shalt  }
0x4d: {  	_ =	shalt  }
0x4e: {  	_ =	shalt  }
0x4f: {  	_ =	shalt  }
0x50: {  	_ =	shalt  }
0x51: {  	_ =	shalt  }
0x52: {  	_ =	shalt  }
0x53: {  	_ =	shalt  }
0x54: {  	_ =	shalt  }
0x55: {  	_ =	shalt  }
0x56: {  	_ =	shalt  }
0x57: {  	_ =	shalt  }
0x58: {  	_ =	shalt  }
0x59: {  	_ =	shalt  }
0x5a: {  	_ =	shalt  }
0x5b: {  	_ =	shalt  }
0x5c: {  	_ =	shalt  }
0x5d: {  	_ =	shalt  }
0x5e: {  	_ =	shalt  }
0x5f: {  	_ =	shalt  }
0x60: {  	_ =	shalt  }
0x61: {  	_ =	shalt  }
0x62: {  	_ =	shalt  }
0x63: {  	_ =	shalt  }
0x64: {  	_ =	shalt  }
0x65: {  	_ =	shalt  }
0x66: {  	_ =	shalt  }
0x67: {  	_ =	shalt  }
0x68: {  	_ =	shalt  }
0x69: {  	_ =	shalt  }
0x6a: {  	_ =	shalt  }
0x6b: {  	_ =	shalt  }
0x6c: {  	_ =	shalt  }
0x6d: {  	_ =	shalt  }
0x6e: {  	_ =	shalt  }
0x6f: {  	_ =	shalt  }
0x70: {  	_ =	shalt  }
0x71: {  	_ =	shalt  }
0x72: {  	_ =	shalt  }
0x73: {  	_ =	shalt  }
0x74: {  	_ =	shalt  }
0x75: {  	_ =	shalt  }
0x76: {  	_ =	shalt  }
0x77: {  	_ =	shalt  }
0x78: {  	_ =	shalt  }
0x79: {  	_ =	shalt  }
0x7a: {  	_ =	shalt  }
0x7b: {  	_ =	shalt  }
0x7c: {  	_ =	shalt  }
0x7d: {  	_ =	shalt  }
0x7e: {  	_ =	shalt  }
0x7f: {  	_ =	shalt  }
0x80: {  	_ =	shalt  }
0x81: {  	_ =	shalt  }
0x82: {  	_ =	shalt  }
0x83: {  	_ =	shalt  }
0x84: {  	_ =	shalt  }
0x85: {  	_ =	shalt  }
0x86: {  	_ =	shalt  }
0x87: {  	_ =	shalt  }
.Lfunc_end0:
.L_simem_size_0:
called_computation_lowered:
.L_overlay_start_0:
0x88: {  	s2 =	sld [smem:$0x3FD9]  }
0x89: {  	s3 =	sld [smem:$0x3FFE];
	_ =	sdelay $0x1  }
0x8a: {  	s1 =	srdreg.scid  }
0x8b: {  	s0 =	sand.u32 $0x1, s1  }
0x8c: {  	s17 =	sshll.u32 s0, $0xA;
	s2 =	sadd.s32 s3, s2  }
0x8d: {  	s2 =	sadd.s32 s2, s17  }
0x8e: {  	[smem:$0x3FC6] =	sst s2  }
0x8f: {  	_ = 	snop  }
0x90: {  	s2 =	sld [smem:$0x3FC9]  }
0x91: {  	s18 =	sld [smem:$0x3FD0];
	(tm) =	ssettm $0x1  }
0x92: {  	s4 =	sld [smem:$0x3FFB];
	_ =	sdelay $0x3  }
0x93: {  	_ =	strace s4  }
0x94: {  	s4 =	sld [smem:$0x3FFC];
	_ =	sdelay $0x3  }
0x95: {  	_ =	strace s4  }
0x96: {  	s4 =	sld [smem:$0x3FFD];
	_ =	sdelay $0x3  }
0x97: {  	_ =	strace s4  }
0x98: {  	_ =	strace $0x8FFFFFFF  }
0x99: {  	s19 =	sld [smem:$0x3FDB];
	_ =	sdelay $0x1  }
0x9a: {  	s5 =	simm.s32 $_scs_section_size  }
0x9b: {  	s6 =	simm.s32 $_size__tile_overlayer_lowered;
	s7 =	simm.s32 $_tile_overlayer_lowered  }
0x9c: {  	s22 =	simm.s32 $0x1BFF;
	s21 =	sshll.u32 s7, $0x1;
	s4 =	sadd.s32 s5, s19  }
0x9d: {  	s8 =	simm.s32 $0x0;
	s20 =	sshll.u32 s6, $0x1;
	s6 =	sadd.s32 s21, s4  }
0x9e: {  	[timem:s8], [sflag:s22] =	dma.local [hbm:s6], s20  }
0x9f: {  	_ =	swait.ge [sflag:s22], s20  }
0xa0: {  	s5 =	ssub.s32 $0x0, s20;
	[sflag:s22] =	ssyncset.done $0x0  }
0xa1: {  	[sflag:s22] =	ssyncadd.s32 s5;
	_ =	sdelay $0x1  }
0xa2: {  	s23 =	simm.s32 $0x1B8B  }
0xa3: {  	_ =	swait.ge [sflag:s23], $0x1  }
0xa4: {  	[sflag:s23] =	ssyncset.done $0x0  }
0xa5: {  	s25 =	simm.s32 $0x1B8E;
	s24 =	sld [smem:$0x3FFE];
	[sflag:s23] =	ssyncadd.s32 $0xFFFFFFFF  }
0xa6: {  	s26 =	simm.s32 $execute0_lowered;
	[smem:$0x3FD2] =	sst s25  }
0xa7: {  	s6 =	sshll.u32 s26, $0x1;
	_ =	strace $0x80000046;
	[dreg:$0x1] =	wrdreg $0xFFFFFFFF  }
0xa8: {  	s28 =	simm.s32 $_size_execute0_lowered;
	s4 =	sadd.s32 s4, s6;
	[dreg:$0x0] =	wrdreg $0x0  }
0xa9: {  	s6 =	sshll.u32 s28, $0x1;
	[dreg:$0x2] =	wrdreg s4  }
0xaa: {  	[dreg:$0x3] =	wrdreg s6  }
0xab: {  	[dreg:$0x4] =	wrdreg $0xC0  }
0xac: {  	_ =	task [dreg:s8], $0x5FFFF  }
0xad: {  	[dreg:$0x1] =	wrdreg $0xFFFFFFFF  }
0xae: {  	[dreg:$0x0] =	wrdreg $0x60  }
0xaf: {  	[dreg:$0x2] =	wrdreg s2  }
0xb0: {  	[dreg:$0x3] =	wrdreg s24  }
0xb1: {  	[dreg:$0x4] =	wrdreg s18  }
0xb2: {  	[dreg:$0x5] =	wrdreg $0x13D000  }
0xb3: {  	[dreg:$0x6] =	wrdreg $0x9  }
0xb4: {  	_ =	task.clear_ibuf [dreg:s8], $0x7FFFF;
	_ =	strace $0x90000046  }
0xb5: {  	s29 =	simm.s32 $0x9;
	_ =	strace $0x80000048  }
0xb6: {  	_ =	swait.ge [sflag:s29], $0x1  }
0xb7: {  	[sflag:s29] =	ssyncadd.s32 $0xFFFFFFFF  }
0xb8: {  	_ =	strace $0x90000048  }
0xb9: {  	_ =	sfence  }
0xba: {  	s30 =	sld [smem:$0x0];
	_ =	sdelay $0x2  }
0xbb: {  	s31 =	sshll.u32 s1, $0xD;
	s1 =	sshrl.u32 s1, $0x2  }
0xbc: {  	s3 =	sand.u32 $0x4000, s31;
	s1 =	sadd.s32 s1, s30  }
0xbd: {  	s0 =	sor.u32 s3, s0;
	s1 =	sshll.u32 s1, $0x11  }
0xbe: {  	s0 =	sor.u32 s1, s0  }
0xbf: {  	s0 =	sadd.s32 $0x8F2B, s0  }
0xc0: {  	[sflag:s0] =	ssyncadd.remote.s32 $0x1  }
0xc1: {  	_ =	sfence.sel $0xFFFF  }
0xc2: {  	[dreg:$0x0] =	wrdreg $0xFFFFFFFF;
	(pc) =	sbr.abs _section_cstart, $3  }
0xc3: {  	[dreg:$0x1] =	wrdreg $0xFFFFFFFF  }
0xc4: {  	_ =	task.clear_ibuf [dreg:s8], $0x2FFFF;
	_ =	strace $0x9FFFFFFF  }
0xc5: {  	(tm) =	ssettm $0x7FFFFFFF  }
tec
execute0_lowered:
.L_overlay_start_1:
0x0: {  	(tag) =	ssettag $0x1  }
0x1: {  	s0 =	rddreg [dreg:$0x0]  }
0x2: {  	s1 =	rddreg [dreg:$0x1]  }
0x3: {  	s4 =	rddreg [dreg:$0x2]  }
0x4: {  	s2 =	rddreg [dreg:$0x3];
	s5 =	srdreg.scid;
	s3 =	simm.s32 $0x0  }
0x5: {  	s6 =	stileid.u32;
	s28 =	simm.s32 $0xBD00;
	s30 =	simm.s32 $0xDD00  }
0x6: {  	s12 =	simm.s32 $0x4;
	s29 =	simm.s32 $0x5;
	s7 =	smul.u32 $0x9D0, s6  }
0x7: {  	s14 =	simm.s32 $0x9;
	s31 =	simm.s32 $0xB;
	s10 =	smul.u32 $0x27000, s6  }
0x8: {  	s5 =	sand.u32 $0x1, s5;
	[smem:$0x7FF] =	sst s3;
	s15 =	smul.u32 $0x2700, s6  }
0x9: {  	s19 =	sadd.s32 $0x27000, s0;
	s21 =	sadd.s32 $0x27000, s4;
	s13 =	sadd.s32 $0x8, s1  }
0xa: {  	s24 =	sadd.s32 $0x27008, s4;
	_ =	strace $0x80000047;
	[dreg:$0x8] =	wrdreg s19  }
0xb: {  	s26 =	sshll.u32 s6, $0x6;
	p1 =	sne.s32 s6, $0x0;
	[dreg:$0xa] =	wrdreg s21  }
0xc: {  	p2 =	seq.s32 s6, $0x0;
	s6 =	simm.s32 $0x11D00;
	[dreg:$0xe] =	wrdreg s24  }
0xd: {  	s8 =	ssub.s32 $0x2, s5;
	p0 =	seq.s32 s5, $0x1;
	[dreg:$0x10] =	wrdreg s26  }
0xe: {  	s21 =	simm.s32 $0x1;
	s24 =	simm.s32 $0x6;
	s9 =	sshrl.u32 s8, $0x1  }
0xf: {  	s7 =	sadd.s32 s7, s1;
	s10 =	sshrl.u32 s10, $0x2;
	s18 =	sadd.s32 s0, s15  }
0x10: {  	s11 =	sor.u32 $0x8, s15;
	s20 =	sadd.s32 s4, s15;
	[dreg:$0x7] =	wrdreg s18  }
0x11: {  	s8 =	ssub.s32 s8, s9;
	s16 =	sadd.s32 $0x27200, s7;
	[dreg:$0x9] =	wrdreg s20  }
0x12: {  	s17 =	sadd.s32 $0x31000, s7;
	s10 =	sadd.s32 s10, s2;
	[dreg:$0x5] =	wrdreg s16  }
0x13: {  	s7 =	sadd.s32 $0x9C000, s2;
	s22 =	sadd.s32 s0, s11;
	[dreg:$0x6] =	wrdreg s17  }
0x14: {  	s0 =	sadd.s32 $0x27008, s0;
	s23 =	sadd.s32 s4, s11;
	[dreg:$0xb] =	wrdreg s22  }
0x15: {  	s9 =	simm.s32 $0x2;
	s11 =	simm.s32 $0x3;
	[dreg:$0xc] =	wrdreg s0  }
.Ltmp0:
0x16: {  	s18 =	simm.s32 $0x0;
	[dreg:$0xd] =	wrdreg s23;
	(pc) =	sbr.rel .LBB2_1-.Ltmp0, $4  }
0x17: {  	s25 =	smax.u32 s8, $0x1;
	s0 =	sor.u32 $0x1C08, s26;
	s20 =	sshrl.u32 s10, $0x3  }
0x18: {  	s22 =	simm.s32 $0x8;
	s23 =	simm.s32 $0x10;
	s26 =	simm.s32 $0x9D00  }
0x19: {  	s8 =	simm.s32 $0x7;
	s10 =	simm.s32 $0xA;
	[dreg:$0xf] =	wrdreg s25  }
0x1a: {  	[dreg:$0x11] =	wrdreg s0;
	s25 =	simm.s32 $0x80;
	s0 =	simm.s32 $0xFD00  }
.LBB2_8:
0x1b: {  	s5 =	sshrl.u32 s7, $0x3  }
0x1c: {  	[hbm:s15@s23], [sflag:s4] =	dma.strided [spmem:s5@s22], $0x80, s21, $0x8   }
0x1d: {  	_ =	swait.ge [sflag:s31], $0x80  }
0x1e: {  	[sflag:s31] =	ssyncset.done $0x0  }
0x1f: {  	[sflag:s31] =	ssyncadd.s32 $0xFFFFFF80  }
.LBB2_9:
0x20: {  	s18 =	sadd.s32 $0x1, s18;
	s4 =	rddreg [dreg:$0xf]  }
0x21: {  	p3 =	sne.s32 s18, s4  }
.Ltmp1:
0x22: {  	_ = 	snop;
	(pc) =	sbr.rel @!p3 .LBB2_10-.Ltmp1, $1  }
0x23: {  	_ =	sdelay $0x3  }
.LBB2_1:
.Ltmp2:
0x24: {  	(pc) =	sbr.rel @!p0 .LBB2_2-.Ltmp2, $4  }
0x25: {  	s4 =	rddreg [dreg:$0x5]  }
0x26: {  	[tilespmem:s3], [sflag:$0x6] =	stream.linear.gather [hbm4b:s4+s3], $0x4E80, $0x38;
	[tilespmem:$0x1D980] =	vst v63  }
0x27: {  	s19 =	rddreg [dreg:$0x6];
	s5 =	simm.s32 $0x4E80;
	s4 =	sshrl.u32 @!p1 s7, $0x3  }
0x28: {  	[tilespmem:s5], [sflag:$0x7] =	stream.linear.gather [hbm4b:s19+s3], $0x4E80, $0x38;
	[tilespmem:$0x1D980] =	vst v63  }
0x29: {  	s5 =	rddreg [dreg:$0xb]  }
0x2a: {  	s15 =	rddreg [dreg:$0x11];
	s16 =	simm.s32 @!p1 $0x10;
	s19 =	simm.s32 @!p1 $0x1C09  }
0x2b: {  	[spmem:s20@s22], [sflag:s15] =	dma.strided [hbm:s5@s23], $0x1380, s21, $0x8   }
0x2c: {  	s5 =	simm.s32 @!p1 $0x1;
	s15 =	simm.s32 @!p1 $0x8;
	s17 =	rddreg [dreg:$0xc]  }
0x2d: {  	[spmem:s4@s15], [sflag:s19] =	dma.strided @!p1 [hbm:s17@s16], $0x80, s5, $0x8   }
0x2e: {  	_ =	swait.ge [sflag:s24], $0x4E80  }
0x2f: {  	[sflag:s24] =	ssyncset.done $0x0  }
0x30: {  	[sflag:s24] =	ssyncadd.s32 $0xFFFFB180  }
0x31: {  	[tilespmem:s26], [sflag:$0x1] =	stream.indirect.gather [hbm4b:s13+s25], $0x40, s3, s25, $0xb8;
	[tilespmem:$0x1D980] =	vst v63  }
0x32: {  	_ = 	snop  }
0x33: {  	[tilespmem:s28], [sflag:$0x2] =	stream.indirect.gather [hbm4b:s13+s25], $0x40, s25, s25, $0xb8;
	[tilespmem:$0x1D980] =	vst v63  }
0x34: {  	s17 =	simm.s32 $0x100  }
0x35: {  	[tilespmem:s30], [sflag:$0x3] =	stream.indirect.gather [hbm4b:s13+s25], $0x40, s17, s25, $0xb8;
	[tilespmem:$0x1D980] =	vst v63  }
0x36: {  	s19 =	simm.s32 $0x180  }
0x37: {  	[tilespmem:s0], [sflag:$0x4] =	stream.indirect.gather [hbm4b:s13+s25], $0x40, s19, s25, $0xb8;
	[tilespmem:$0x1D980] =	vst v63  }
0x38: {  	s5 =	simm.s32 $0x200  }
0x39: {  	[tilespmem:s6], [sflag:$0x5] =	stream.indirect.gather [hbm4b:s13+s25], $0x40, s5, s25, $0xb8;
	[tilespmem:$0x1D980] =	vst v63  }
0x3a: {  	_ =	swait.ge [sflag:s8], $0x4E80  }
0x3b: {  	[sflag:s8] =	ssyncset.done $0x0  }
0x3c: {  	[sflag:s8] =	ssyncadd.s32 $0xFFFFB180  }
0x3d: {  	_ =	swait.ge [sflag:s22], $0x1380  }
0x3e: {  	[sflag:s22] =	ssyncset.done $0x0  }
0x3f: {  	s4 =	simm.s32 @!p1 $0x9;
	[sflag:s22] =	ssyncadd.s32 $0xFFFFEC80  }
0x40: {  	_ =	swait.ge @!p1 [sflag:s4], $0x80  }
0x41: {  	[sflag:s4] =	ssyncset.done @!p1 $0x0  }
0x42: {  	[sflag:s4] =	ssyncadd.s32 @!p1 $0xFFFFFF80  }
0x43: {  	[bflag:$0x0] =	sbarrier.arrive $0xFFFF  }
0x44: {  	_ =	swait.ge [sflag:s21], $0x2000  }
0x45: {  	[sflag:s21] =	ssyncset.done $0x0  }
0x46: {  	s15 =	simm.s32 $0x4E80;
	[sflag:s21] =	ssyncadd.s32 $0xFFFFE000  }
0x47: {  	[spmem:s2] =	stream.indirect.scatter.add.f32 [tilespmem:s26], [sflag:$0x6], $0x40, s15, s25, $0xb8;
	[tilespmem:$0x1D980] =	vst v63  }
0x48: {  	_ =	swait.ge [sflag:s9], $0x2000  }
0x49: {  	[sflag:s9] =	ssyncset.done $0x0  }
0x4a: {  	s16 =	simm.s32 $0x4F00;
	[sflag:s9] =	ssyncadd.s32 $0xFFFFE000  }
0x4b: {  	[spmem:s2] =	stream.indirect.scatter.add.f32 [tilespmem:s28], [sflag:$0x7], $0x40, s16, s25, $0xb8;
	[tilespmem:$0x1D980] =	vst v63  }
0x4c: {  	_ =	swait.ge [sflag:s11], $0x2000  }
0x4d: {  	[sflag:s11] =	ssyncset.done $0x0  }
0x4e: {  	s17 =	simm.s32 $0x4F80;
	[sflag:s11] =	ssyncadd.s32 $0xFFFFE000  }
0x4f: {  	[spmem:s2] =	stream.indirect.scatter.add.f32 [tilespmem:s30], [sflag:$0x8], $0x40, s17, s25, $0xb8;
	[tilespmem:$0x1D980] =	vst v63  }
0x50: {  	_ =	swait.ge [sflag:s12], $0x2000  }
0x51: {  	[sflag:s12] =	ssyncset.done $0x0  }
0x52: {  	s19 =	simm.s32 $0x5000;
	[sflag:s12] =	ssyncadd.s32 $0xFFFFE000  }
0x53: {  	[spmem:s2] =	stream.indirect.scatter.add.f32 [tilespmem:s0], [sflag:$0x9], $0x40, s19, s25, $0xb8;
	[tilespmem:$0x1D980] =	vst v63  }
0x54: {  	_ =	swait.ge [sflag:s29], $0x2000  }
0x55: {  	[sflag:s29] =	ssyncset.done $0x0  }
0x56: {  	s5 =	simm.s32 $0x5080;
	[sflag:s29] =	ssyncadd.s32 $0xFFFFE000  }
0x57: {  	[spmem:s2] =	stream.indirect.scatter.add.f32 [tilespmem:s6], [sflag:$0xA], $0x40, s5, s25, $0xb8;
	[tilespmem:$0x1D980] =	vst v63  }
0x58: {  	_ =	swait.ge [sflag:s24], $0x2000  }
0x59: {  	[sflag:s24] =	ssyncset.done $0x0  }
0x5a: {  	s15 =	simm.s32 $0x280;
	[sflag:s24] =	ssyncadd.s32 $0xFFFFE000  }
0x5b: {  	[tilespmem:s26], [sflag:$0x1] =	stream.indirect.gather [hbm4b:s13+s25], $0x40, s15, s25, $0xb8;
	[tilespmem:$0x1D980] =	vst v63  }
0x5c: {  	_ =	swait.ge [sflag:s8], $0x2000  }
0x5d: {  	[sflag:s8] =	ssyncset.done $0x0  }
0x5e: {  	s16 =	simm.s32 $0x300;
	[sflag:s8] =	ssyncadd.s32 $0xFFFFE000  }
0x5f: {  	[tilespmem:s28], [sflag:$0x2] =	stream.indirect.gather [hbm4b:s13+s25], $0x40, s16, s25, $0xb8;
	[tilespmem:$0x1D980] =	vst v63  }
0x60: {  	_ =	swait.ge [sflag:s22], $0x2000  }
0x61: {  	[sflag:s22] =	ssyncset.done $0x0  }
0x62: {  	s17 =	simm.s32 $0x380;
	[sflag:s22] =	ssyncadd.s32 $0xFFFFE000  }
0x63: {  	[tilespmem:s30], [sflag:$0x3] =	stream.indirect.gather [hbm4b:s13+s25], $0x40, s17, s25, $0xb8;
	[tilespmem:$0x1D980] =	vst v63  }
0x64: {  	_ =	swait.ge [sflag:s14], $0x2000  }
0x65: {  	[sflag:s14] =	ssyncset.done $0x0  }
0x66: {  	s19 =	simm.s32 $0x400;
	[sflag:s14] =	ssyncadd.s32 $0xFFFFE000  }
0x67: {  	[tilespmem:s0], [sflag:$0x4] =	stream.indirect.gather [hbm4b:s13+s25], $0x40, s19, s25, $0xb8;
	[tilespmem:$0x1D980] =	vst v63  }
0x68: {  	_ =	swait.ge [sflag:s10], $0x2000  }
0x69: {  	[sflag:s10] =	ssyncset.done $0x0  }
0x6a: {  	s4 =	simm.s32 $0x480;
	s15 =	simm.s32 $0xA00;
	[sflag:s10] =	ssyncadd.s32 $0xFFFFE000  }
.LBB2_6:
0x6b: {  	[tilespmem:s6], [sflag:$0x5] =	stream.indirect.gather [hbm4b:s13+s25], $0x40, s4, s25, $0xb8;
	[tilespmem:$0x1D980] =	vst v63  }
0x6c: {  	s4 =	smov.u32 s15  }
0x6d: {  	p3 =	sne.s32 s15, $0x12200;
	s15 =	sadd.s32 $0xA00, s15;
	_ =	swait.ge [sflag:s21], $0x2000  }
0x6e: {  	s4 =	sshra.s32 s4, $0x2;
	[sflag:s21] =	ssyncset.done $0x0  }
0x6f: {  	s5 =	sadd.s32 $0x4E80, s4;
	[sflag:s21] =	ssyncadd.s32 $0xFFFFE000  }
0x70: {  	[spmem:s2] =	stream.indirect.scatter.add.f32 [tilespmem:s26], [sflag:$0x6], $0x40, s5, s25, $0xb8;
	[tilespmem:$0x1D980] =	vst v63  }
0x71: {  	_ =	swait.ge [sflag:s9], $0x2000  }
0x72: {  	[sflag:s9] =	ssyncset.done $0x0  }
0x73: {  	s5 =	sadd.s32 $0x4F00, s4;
	[sflag:s9] =	ssyncadd.s32 $0xFFFFE000  }
0x74: {  	[spmem:s2] =	stream.indirect.scatter.add.f32 [tilespmem:s28], [sflag:$0x7], $0x40, s5, s25, $0xb8;
	[tilespmem:$0x1D980] =	vst v63  }
0x75: {  	_ =	swait.ge [sflag:s11], $0x2000  }
0x76: {  	[sflag:s11] =	ssyncset.done $0x0  }
0x77: {  	s5 =	sadd.s32 $0x4F80, s4;
	[sflag:s11] =	ssyncadd.s32 $0xFFFFE000  }
0x78: {  	[spmem:s2] =	stream.indirect.scatter.add.f32 [tilespmem:s30], [sflag:$0x8], $0x40, s5, s25, $0xb8;
	[tilespmem:$0x1D980] =	vst v63  }
0x79: {  	_ =	swait.ge [sflag:s12], $0x2000  }
0x7a: {  	[sflag:s12] =	ssyncset.done $0x0  }
0x7b: {  	s5 =	sadd.s32 $0x5000, s4;
	[sflag:s12] =	ssyncadd.s32 $0xFFFFE000  }
0x7c: {  	[spmem:s2] =	stream.indirect.scatter.add.f32 [tilespmem:s0], [sflag:$0x9], $0x40, s5, s25, $0xb8;
	[tilespmem:$0x1D980] =	vst v63  }
0x7d: {  	_ =	swait.ge [sflag:s29], $0x2000  }
0x7e: {  	[sflag:s29] =	ssyncset.done $0x0  }
0x7f: {  	s5 =	sadd.s32 $0x5080, s4;
	[sflag:s29] =	ssyncadd.s32 $0xFFFFE000  }
0x80: {  	[spmem:s2] =	stream.indirect.scatter.add.f32 [tilespmem:s6], [sflag:$0xA], $0x40, s5, s25, $0xb8;
	[tilespmem:$0x1D980] =	vst v63  }
0x81: {  	_ =	swait.ge [sflag:s24], $0x2000  }
0x82: {  	[sflag:s24] =	ssyncset.done $0x0  }
0x83: {  	s5 =	sadd.s32 $0x280, s4;
	[sflag:s24] =	ssyncadd.s32 $0xFFFFE000  }
0x84: {  	[tilespmem:s26], [sflag:$0x1] =	stream.indirect.gather [hbm4b:s13+s25], $0x40, s5, s25, $0xb8;
	[tilespmem:$0x1D980] =	vst v63  }
0x85: {  	_ =	swait.ge [sflag:s8], $0x2000  }
0x86: {  	[sflag:s8] =	ssyncset.done $0x0  }
0x87: {  	s5 =	sadd.s32 $0x300, s4;
	[sflag:s8] =	ssyncadd.s32 $0xFFFFE000  }
0x88: {  	[tilespmem:s28], [sflag:$0x2] =	stream.indirect.gather [hbm4b:s13+s25], $0x40, s5, s25, $0xb8;
	[tilespmem:$0x1D980] =	vst v63  }
0x89: {  	_ =	swait.ge [sflag:s22], $0x2000  }
0x8a: {  	[sflag:s22] =	ssyncset.done $0x0  }
0x8b: {  	s5 =	sadd.s32 $0x380, s4;
	[sflag:s22] =	ssyncadd.s32 $0xFFFFE000  }
0x8c: {  	[tilespmem:s30], [sflag:$0x3] =	stream.indirect.gather [hbm4b:s13+s25], $0x40, s5, s25, $0xb8;
	[tilespmem:$0x1D980] =	vst v63  }
0x8d: {  	_ =	swait.ge [sflag:s14], $0x2000  }
0x8e: {  	[sflag:s14] =	ssyncset.done $0x0  }
.Ltmp3:
0x8f: {  	s5 =	sadd.s32 $0x400, s4;
	[sflag:s14] =	ssyncadd.s32 $0xFFFFE000;
	(pc) =	sbr.rel @p3 .LBB2_6-.Ltmp3, $4  }
0x90: {  	[tilespmem:s0], [sflag:$0x4] =	stream.indirect.gather [hbm4b:s13+s25], $0x40, s5, s25, $0xb8;
	[tilespmem:$0x1D980] =	vst v63  }
0x91: {  	_ =	swait.ge [sflag:s10], $0x2000  }
0x92: {  	[sflag:s10] =	ssyncset.done $0x0  }
0x93: {  	s4 =	sadd.s32 $0x480, s4;
	[sflag:s10] =	ssyncadd.s32 $0xFFFFE000  }
0x94: {  	[tilespmem:s6], [sflag:$0x5] =	stream.indirect.gather [hbm4b:s13+s25], $0x40, s4, s25, $0xb8;
	[tilespmem:$0x1D980] =	vst v63  }
0x95: {  	_ =	swait.ge [sflag:s21], $0x2000  }
0x96: {  	[sflag:s21] =	ssyncset.done $0x0  }
0x97: {  	s5 =	simm.s32 $0x9980;
	[sflag:s21] =	ssyncadd.s32 $0xFFFFE000  }
0x98: {  	[spmem:s2] =	stream.indirect.scatter.add.f32 [tilespmem:s26], [sflag:$0x6], $0x40, s5, s25, $0xb8;
	[tilespmem:$0x1D980] =	vst v63  }
0x99: {  	_ =	swait.ge [sflag:s9], $0x2000  }
0x9a: {  	[sflag:s9] =	ssyncset.done $0x0  }
0x9b: {  	s15 =	simm.s32 $0x9A00;
	[sflag:s9] =	ssyncadd.s32 $0xFFFFE000  }
0x9c: {  	[spmem:s2] =	stream.indirect.scatter.add.f32 [tilespmem:s28], [sflag:$0x7], $0x40, s15, s25, $0xb8;
	[tilespmem:$0x1D980] =	vst v63  }
0x9d: {  	_ =	swait.ge [sflag:s11], $0x2000  }
0x9e: {  	[sflag:s11] =	ssyncset.done $0x0  }
0x9f: {  	s16 =	simm.s32 $0x9A80;
	[sflag:s11] =	ssyncadd.s32 $0xFFFFE000  }
0xa0: {  	[spmem:s2] =	stream.indirect.scatter.add.f32 [tilespmem:s30], [sflag:$0x8], $0x40, s16, s25, $0xb8;
	[tilespmem:$0x1D980] =	vst v63  }
0xa1: {  	_ =	swait.ge [sflag:s12], $0x2000  }
0xa2: {  	[sflag:s12] =	ssyncset.done $0x0  }
0xa3: {  	s17 =	simm.s32 $0x9B00;
	[sflag:s12] =	ssyncadd.s32 $0xFFFFE000  }
0xa4: {  	[spmem:s2] =	stream.indirect.scatter.add.f32 [tilespmem:s0], [sflag:$0x9], $0x40, s17, s25, $0xb8;
	[tilespmem:$0x1D980] =	vst v63  }
0xa5: {  	_ =	swait.ge [sflag:s29], $0x2000  }
0xa6: {  	[sflag:s29] =	ssyncset.done $0x0  }
0xa7: {  	s19 =	simm.s32 $0x9B80;
	[sflag:s29] =	ssyncadd.s32 $0xFFFFE000  }
0xa8: {  	[spmem:s2] =	stream.indirect.scatter.add.f32 [tilespmem:s6], [sflag:$0xA], $0x40, s19, s25, $0xb8;
	[tilespmem:$0x1D980] =	vst v63  }
0xa9: {  	_ =	swait.ge [sflag:s24], $0x2000  }
0xaa: {  	[sflag:s24] =	ssyncset.done $0x0  }
0xab: {  	s5 =	simm.s32 $0x4D80;
	[sflag:s24] =	ssyncadd.s32 $0xFFFFE000  }
0xac: {  	[tilespmem:s26], [sflag:$0x1] =	stream.indirect.gather [hbm4b:s13+s25], $0x40, s5, s25, $0xb8;
	[tilespmem:$0x1D980] =	vst v63  }
0xad: {  	_ =	swait.ge [sflag:s8], $0x2000  }
0xae: {  	[sflag:s8] =	ssyncset.done $0x0  }
0xaf: {  	s15 =	simm.s32 $0x4E00;
	[sflag:s8] =	ssyncadd.s32 $0xFFFFE000  }
0xb0: {  	[tilespmem:s28], [sflag:$0x2] =	stream.indirect.gather [hbm4b:s13+s25], $0x40, s15, s25, $0xb8;
	[tilespmem:$0x1D980] =	vst v63  }
0xb1: {  	_ =	swait.ge [sflag:s21], $0x2000  }
0xb2: {  	[sflag:s21] =	ssyncset.done $0x0  }
0xb3: {  	s16 =	simm.s32 $0x9C00;
	[sflag:s21] =	ssyncadd.s32 $0xFFFFE000  }
0xb4: {  	[spmem:s2] =	stream.indirect.scatter.add.f32 [tilespmem:s26], [sflag:$0x6], $0x40, s16, s25, $0xb8;
	[tilespmem:$0x1D980] =	vst v63  }
0xb5: {  	_ =	swait.ge [sflag:s9], $0x2000  }
0xb6: {  	[sflag:s9] =	ssyncset.done $0x0  }
0xb7: {  	s17 =	simm.s32 $0x9C80;
	[sflag:s9] =	ssyncadd.s32 $0xFFFFE000  }
0xb8: {  	[spmem:s2] =	stream.indirect.scatter.add.f32 [tilespmem:s28], [sflag:$0x7], $0x40, s17, s25, $0xb8;
	[tilespmem:$0x1D980] =	vst v63  }
0xb9: {  	_ =	swait.ge [sflag:s24], $0x2000  }
0xba: {  	[sflag:s24] =	ssyncset.done $0x0  }
0xbb: {  	[sflag:s24] =	ssyncadd.s32 $0xFFFFE000  }
0xbc: {  	_ =	swait.ge [sflag:s8], $0x2000  }
0xbd: {  	[sflag:s8] =	ssyncset.done $0x0  }
0xbe: {  	[sflag:s8] =	ssyncadd.s32 $0xFFFFE000  }
0xbf: {  	_ =	swait.ge [sflag:s22], $0x2000  }
0xc0: {  	[sflag:s22] =	ssyncset.done $0x0  }
0xc1: {  	[sflag:s22] =	ssyncadd.s32 $0xFFFFE000  }
0xc2: {  	_ =	swait.ge [sflag:s14], $0x2000  }
0xc3: {  	[sflag:s14] =	ssyncset.done $0x0  }
0xc4: {  	[sflag:s14] =	ssyncadd.s32 $0xFFFFE000  }
0xc5: {  	_ =	swait.ge [sflag:s10], $0x2000  }
0xc6: {  	[sflag:s10] =	ssyncset.done $0x0  }
0xc7: {  	[sflag:s10] =	ssyncadd.s32 $0xFFFFE000  }
0xc8: {  	[bflag:$0x0] =	sbarrier.arrive $0xFFFF  }
0xc9: {  	s19 =	rddreg [dreg:$0x10]  }
0xca: {  	s5 =	rddreg [dreg:$0xd];
	s4 =	sor.u32 $0x1C0B, s19  }
0xcb: {  	[hbm:s5@s23], [sflag:s4] =	dma.strided [spmem:s20@s22], $0x1380, s21, $0x8   }
.Ltmp4:
0xcc: {  	_ = 	snop;
	(pc) =	sbr.rel @p1 .LBB2_9-.Ltmp4, $4  }
.Ltmp5:
0xcd: {  	_ = 	snop;
	(pc) =	sbr.rel @!p1 .LBB2_8-.Ltmp5, $4  }
0xce: {  	_ =	swait.ge [sflag:s31], $0x1380  }
0xcf: {  	[sflag:s31] =	ssyncset.done $0x0  }
0xd0: {  	s15 =	rddreg [dreg:$0xe];
	[sflag:s31] =	ssyncadd.s32 $0xFFFFEC80  }
0xd1: {  	_ = 	snop  }
.LBB2_2:
0xd2: {  	s5 =	rddreg [dreg:$0x7]  }
0xd3: {  	s15 =	rddreg [dreg:$0x11];
	s16 =	simm.s32 @!p1 $0x10;
	s19 =	simm.s32 @!p1 $0x1C09  }
0xd4: {  	[spmem:s20@s22], [sflag:s15] =	dma.strided [hbm:s5@s23], $0x1380, s21, $0x8   }
0xd5: {  	s15 =	simm.s32 @!p1 $0x1;
	s5 =	simm.s32 @!p1 $0x8;
	s17 =	rddreg [dreg:$0x8]  }
0xd6: {  	[spmem:s4@s5], [sflag:s19] =	dma.strided @!p1 [hbm:s17@s16], $0x80, s15, $0x8   }
0xd7: {  	_ =	swait.ge [sflag:s24], $0x4E80  }
0xd8: {  	[sflag:s24] =	ssyncset.done $0x0  }
0xd9: {  	[sflag:s24] =	ssyncadd.s32 $0xFFFFB180  }
0xda: {  	[tilespmem:s26], [sflag:$0x1] =	stream.indirect.gather [hbm4b:s1+s25], $0x40, s3, s25, $0xb8;
	[tilespmem:$0x1D980] =	vst v63  }
0xdb: {  	_ = 	snop  }
0xdc: {  	[tilespmem:s28], [sflag:$0x2] =	stream.indirect.gather [hbm4b:s1+s25], $0x40, s25, s25, $0xb8;
	[tilespmem:$0x1D980] =	vst v63  }
0xdd: {  	s17 =	simm.s32 $0x100  }
0xde: {  	[tilespmem:s30], [sflag:$0x3] =	stream.indirect.gather [hbm4b:s1+s25], $0x40, s17, s25, $0xb8;
	[tilespmem:$0x1D980] =	vst v63  }
0xdf: {  	s19 =	simm.s32 $0x180  }
0xe0: {  	[tilespmem:s0], [sflag:$0x4] =	stream.indirect.gather [hbm4b:s1+s25], $0x40, s19, s25, $0xb8;
	[tilespmem:$0x1D980] =	vst v63  }
0xe1: {  	s5 =	simm.s32 $0x200  }
0xe2: {  	[tilespmem:s6], [sflag:$0x5] =	stream.indirect.gather [hbm4b:s1+s25], $0x40, s5, s25, $0xb8;
	[tilespmem:$0x1D980] =	vst v63  }
0xe3: {  	_ =	swait.ge [sflag:s8], $0x4E80  }
0xe4: {  	[sflag:s8] =	ssyncset.done $0x0  }
0xe5: {  	[sflag:s8] =	ssyncadd.s32 $0xFFFFB180  }
0xe6: {  	_ =	swait.ge [sflag:s22], $0x1380  }
0xe7: {  	[sflag:s22] =	ssyncset.done $0x0  }
0xe8: {  	s4 =	simm.s32 @!p1 $0x9;
	[sflag:s22] =	ssyncadd.s32 $0xFFFFEC80  }
0xe9: {  	_ =	swait.ge @!p1 [sflag:s4], $0x80  }
0xea: {  	[sflag:s4] =	ssyncset.done @!p1 $0x0  }
0xeb: {  	[sflag:s4] =	ssyncadd.s32 @!p1 $0xFFFFFF80  }
0xec: {  	[bflag:$0x0] =	sbarrier.arrive $0xFFFF  }
0xed: {  	_ =	swait.ge [sflag:s21], $0x2000  }
0xee: {  	[sflag:s21] =	ssyncset.done $0x0  }
0xef: {  	s15 =	simm.s32 $0x4E80;
	[sflag:s21] =	ssyncadd.s32 $0xFFFFE000  }
0xf0: {  	[spmem:s2] =	stream.indirect.scatter.add.f32 [tilespmem:s26], [sflag:$0x6], $0x40, s15, s25, $0xb8;
	[tilespmem:$0x1D980] =	vst v63  }
0xf1: {  	_ =	swait.ge [sflag:s9], $0x2000  }
0xf2: {  	[sflag:s9] =	ssyncset.done $0x0  }
0xf3: {  	s16 =	simm.s32 $0x4F00;
	[sflag:s9] =	ssyncadd.s32 $0xFFFFE000  }
0xf4: {  	[spmem:s2] =	stream.indirect.scatter.add.f32 [tilespmem:s28], [sflag:$0x7], $0x40, s16, s25, $0xb8;
	[tilespmem:$0x1D980] =	vst v63  }
0xf5: {  	_ =	swait.ge [sflag:s11], $0x2000  }
0xf6: {  	[sflag:s11] =	ssyncset.done $0x0  }
0xf7: {  	s17 =	simm.s32 $0x4F80;
	[sflag:s11] =	ssyncadd.s32 $0xFFFFE000  }
0xf8: {  	[spmem:s2] =	stream.indirect.scatter.add.f32 [tilespmem:s30], [sflag:$0x8], $0x40, s17, s25, $0xb8;
	[tilespmem:$0x1D980] =	vst v63  }
0xf9: {  	_ =	swait.ge [sflag:s12], $0x2000  }
0xfa: {  	[sflag:s12] =	ssyncset.done $0x0  }
0xfb: {  	s19 =	simm.s32 $0x5000;
	[sflag:s12] =	ssyncadd.s32 $0xFFFFE000  }
0xfc: {  	[spmem:s2] =	stream.indirect.scatter.add.f32 [tilespmem:s0], [sflag:$0x9], $0x40, s19, s25, $0xb8;
	[tilespmem:$0x1D980] =	vst v63  }
0xfd: {  	_ =	swait.ge [sflag:s29], $0x2000  }
0xfe: {  	[sflag:s29] =	ssyncset.done $0x0  }
0xff: {  	s5 =	simm.s32 $0x5080;
	[sflag:s29] =	ssyncadd.s32 $0xFFFFE000  }
0x100: {  	[spmem:s2] =	stream.indirect.scatter.add.f32 [tilespmem:s6], [sflag:$0xA], $0x40, s5, s25, $0xb8;
	[tilespmem:$0x1D980] =	vst v63  }
0x101: {  	_ =	swait.ge [sflag:s24], $0x2000  }
0x102: {  	[sflag:s24] =	ssyncset.done $0x0  }
0x103: {  	s15 =	simm.s32 $0x280;
	[sflag:s24] =	ssyncadd.s32 $0xFFFFE000  }
0x104: {  	[tilespmem:s26], [sflag:$0x1] =	stream.indirect.gather [hbm4b:s1+s25], $0x40, s15, s25, $0xb8;
	[tilespmem:$0x1D980] =	vst v63  }
0x105: {  	_ =	swait.ge [sflag:s8], $0x2000  }
0x106: {  	[sflag:s8] =	ssyncset.done $0x0  }
0x107: {  	s16 =	simm.s32 $0x300;
	[sflag:s8] =	ssyncadd.s32 $0xFFFFE000  }
0x108: {  	[tilespmem:s28], [sflag:$0x2] =	stream.indirect.gather [hbm4b:s1+s25], $0x40, s16, s25, $0xb8;
	[tilespmem:$0x1D980] =	vst v63  }
0x109: {  	_ =	swait.ge [sflag:s22], $0x2000  }
0x10a: {  	[sflag:s22] =	ssyncset.done $0x0  }
0x10b: {  	s17 =	simm.s32 $0x380;
	[sflag:s22] =	ssyncadd.s32 $0xFFFFE000  }
0x10c: {  	[tilespmem:s30], [sflag:$0x3] =	stream.indirect.gather [hbm4b:s1+s25], $0x40, s17, s25, $0xb8;
	[tilespmem:$0x1D980] =	vst v63  }
0x10d: {  	_ =	swait.ge [sflag:s14], $0x2000  }
0x10e: {  	[sflag:s14] =	ssyncset.done $0x0  }
0x10f: {  	s19 =	simm.s32 $0x400;
	[sflag:s14] =	ssyncadd.s32 $0xFFFFE000  }
0x110: {  	[tilespmem:s0], [sflag:$0x4] =	stream.indirect.gather [hbm4b:s1+s25], $0x40, s19, s25, $0xb8;
	[tilespmem:$0x1D980] =	vst v63  }
0x111: {  	_ =	swait.ge [sflag:s10], $0x2000  }
0x112: {  	[sflag:s10] =	ssyncset.done $0x0  }
0x113: {  	s4 =	simm.s32 $0x480;
	s15 =	simm.s32 $0xA00;
	[sflag:s10] =	ssyncadd.s32 $0xFFFFE000  }
.LBB2_3:
0x114: {  	[tilespmem:s6], [sflag:$0x5] =	stream.indirect.gather [hbm4b:s1+s25], $0x40, s4, s25, $0xb8;
	[tilespmem:$0x1D980] =	vst v63  }
0x115: {  	s4 =	smov.u32 s15  }
0x116: {  	p3 =	sne.s32 s15, $0x12200;
	s15 =	sadd.s32 $0xA00, s15;
	_ =	swait.ge [sflag:s21], $0x2000  }
0x117: {  	s4 =	sshra.s32 s4, $0x2;
	[sflag:s21] =	ssyncset.done $0x0  }
0x118: {  	s5 =	sadd.s32 $0x4E80, s4;
	[sflag:s21] =	ssyncadd.s32 $0xFFFFE000  }
0x119: {  	[spmem:s2] =	stream.indirect.scatter.add.f32 [tilespmem:s26], [sflag:$0x6], $0x40, s5, s25, $0xb8;
	[tilespmem:$0x1D980] =	vst v63  }
0x11a: {  	_ =	swait.ge [sflag:s9], $0x2000  }
0x11b: {  	[sflag:s9] =	ssyncset.done $0x0  }
0x11c: {  	s5 =	sadd.s32 $0x4F00, s4;
	[sflag:s9] =	ssyncadd.s32 $0xFFFFE000  }
0x11d: {  	[spmem:s2] =	stream.indirect.scatter.add.f32 [tilespmem:s28], [sflag:$0x7], $0x40, s5, s25, $0xb8;
	[tilespmem:$0x1D980] =	vst v63  }
0x11e: {  	_ =	swait.ge [sflag:s11], $0x2000  }
0x11f: {  	[sflag:s11] =	ssyncset.done $0x0  }
0x120: {  	s5 =	sadd.s32 $0x4F80, s4;
	[sflag:s11] =	ssyncadd.s32 $0xFFFFE000  }
0x121: {  	[spmem:s2] =	stream.indirect.scatter.add.f32 [tilespmem:s30], [sflag:$0x8], $0x40, s5, s25, $0xb8;
	[tilespmem:$0x1D980] =	vst v63  }
0x122: {  	_ =	swait.ge [sflag:s12], $0x2000  }
0x123: {  	[sflag:s12] =	ssyncset.done $0x0  }
0x124: {  	s5 =	sadd.s32 $0x5000, s4;
	[sflag:s12] =	ssyncadd.s32 $0xFFFFE000  }
0x125: {  	[spmem:s2] =	stream.indirect.scatter.add.f32 [tilespmem:s0], [sflag:$0x9], $0x40, s5, s25, $0xb8;
	[tilespmem:$0x1D980] =	vst v63  }
0x126: {  	_ =	swait.ge [sflag:s29], $0x2000  }
0x127: {  	[sflag:s29] =	ssyncset.done $0x0  }
0x128: {  	s5 =	sadd.s32 $0x5080, s4;
	[sflag:s29] =	ssyncadd.s32 $0xFFFFE000  }
0x129: {  	[spmem:s2] =	stream.indirect.scatter.add.f32 [tilespmem:s6], [sflag:$0xA], $0x40, s5, s25, $0xb8;
	[tilespmem:$0x1D980] =	vst v63  }
0x12a: {  	_ =	swait.ge [sflag:s24], $0x2000  }
0x12b: {  	[sflag:s24] =	ssyncset.done $0x0  }
0x12c: {  	s5 =	sadd.s32 $0x280, s4;
	[sflag:s24] =	ssyncadd.s32 $0xFFFFE000  }
0x12d: {  	[tilespmem:s26], [sflag:$0x1] =	stream.indirect.gather [hbm4b:s1+s25], $0x40, s5, s25, $0xb8;
	[tilespmem:$0x1D980] =	vst v63  }
0x12e: {  	_ =	swait.ge [sflag:s8], $0x2000  }
0x12f: {  	[sflag:s8] =	ssyncset.done $0x0  }
0x130: {  	s5 =	sadd.s32 $0x300, s4;
	[sflag:s8] =	ssyncadd.s32 $0xFFFFE000  }
0x131: {  	[tilespmem:s28], [sflag:$0x2] =	stream.indirect.gather [hbm4b:s1+s25], $0x40, s5, s25, $0xb8;
	[tilespmem:$0x1D980] =	vst v63  }
0x132: {  	_ =	swait.ge [sflag:s22], $0x2000  }
0x133: {  	[sflag:s22] =	ssyncset.done $0x0  }
0x134: {  	s5 =	sadd.s32 $0x380, s4;
	[sflag:s22] =	ssyncadd.s32 $0xFFFFE000  }
0x135: {  	[tilespmem:s30], [sflag:$0x3] =	stream.indirect.gather [hbm4b:s1+s25], $0x40, s5, s25, $0xb8;
	[tilespmem:$0x1D980] =	vst v63  }
0x136: {  	_ =	swait.ge [sflag:s14], $0x2000  }
0x137: {  	[sflag:s14] =	ssyncset.done $0x0  }
.Ltmp6:
0x138: {  	s5 =	sadd.s32 $0x400, s4;
	[sflag:s14] =	ssyncadd.s32 $0xFFFFE000;
	(pc) =	sbr.rel @p3 .LBB2_3-.Ltmp6, $4  }
0x139: {  	[tilespmem:s0], [sflag:$0x4] =	stream.indirect.gather [hbm4b:s1+s25], $0x40, s5, s25, $0xb8;
	[tilespmem:$0x1D980] =	vst v63  }
0x13a: {  	_ =	swait.ge [sflag:s10], $0x2000  }
0x13b: {  	[sflag:s10] =	ssyncset.done $0x0  }
0x13c: {  	s4 =	sadd.s32 $0x480, s4;
	[sflag:s10] =	ssyncadd.s32 $0xFFFFE000  }
0x13d: {  	[tilespmem:s6], [sflag:$0x5] =	stream.indirect.gather [hbm4b:s1+s25], $0x40, s4, s25, $0xb8;
	[tilespmem:$0x1D980] =	vst v63  }
0x13e: {  	_ =	swait.ge [sflag:s21], $0x2000  }
0x13f: {  	[sflag:s21] =	ssyncset.done $0x0  }
0x140: {  	s5 =	simm.s32 $0x9980;
	[sflag:s21] =	ssyncadd.s32 $0xFFFFE000  }
0x141: {  	[spmem:s2] =	stream.indirect.scatter.add.f32 [tilespmem:s26], [sflag:$0x6], $0x40, s5, s25, $0xb8;
	[tilespmem:$0x1D980] =	vst v63  }
0x142: {  	_ =	swait.ge [sflag:s9], $0x2000  }
0x143: {  	[sflag:s9] =	ssyncset.done $0x0  }
0x144: {  	s15 =	simm.s32 $0x9A00;
	[sflag:s9] =	ssyncadd.s32 $0xFFFFE000  }
0x145: {  	[spmem:s2] =	stream.indirect.scatter.add.f32 [tilespmem:s28], [sflag:$0x7], $0x40, s15, s25, $0xb8;
	[tilespmem:$0x1D980] =	vst v63  }
0x146: {  	_ =	swait.ge [sflag:s11], $0x2000  }
0x147: {  	[sflag:s11] =	ssyncset.done $0x0  }
0x148: {  	s16 =	simm.s32 $0x9A80;
	[sflag:s11] =	ssyncadd.s32 $0xFFFFE000  }
0x149: {  	[spmem:s2] =	stream.indirect.scatter.add.f32 [tilespmem:s30], [sflag:$0x8], $0x40, s16, s25, $0xb8;
	[tilespmem:$0x1D980] =	vst v63  }
0x14a: {  	_ =	swait.ge [sflag:s12], $0x2000  }
0x14b: {  	[sflag:s12] =	ssyncset.done $0x0  }
0x14c: {  	s17 =	simm.s32 $0x9B00;
	[sflag:s12] =	ssyncadd.s32 $0xFFFFE000  }
0x14d: {  	[spmem:s2] =	stream.indirect.scatter.add.f32 [tilespmem:s0], [sflag:$0x9], $0x40, s17, s25, $0xb8;
	[tilespmem:$0x1D980] =	vst v63  }
0x14e: {  	_ =	swait.ge [sflag:s29], $0x2000  }
0x14f: {  	[sflag:s29] =	ssyncset.done $0x0  }
0x150: {  	s19 =	simm.s32 $0x9B80;
	[sflag:s29] =	ssyncadd.s32 $0xFFFFE000  }
0x151: {  	[spmem:s2] =	stream.indirect.scatter.add.f32 [tilespmem:s6], [sflag:$0xA], $0x40, s19, s25, $0xb8;
	[tilespmem:$0x1D980] =	vst v63  }
0x152: {  	_ =	swait.ge [sflag:s24], $0x2000  }
0x153: {  	[sflag:s24] =	ssyncset.done $0x0  }
0x154: {  	s5 =	simm.s32 $0x4D80;
	[sflag:s24] =	ssyncadd.s32 $0xFFFFE000  }
0x155: {  	[tilespmem:s26], [sflag:$0x1] =	stream.indirect.gather [hbm4b:s1+s25], $0x40, s5, s25, $0xb8;
	[tilespmem:$0x1D980] =	vst v63  }
0x156: {  	_ =	swait.ge [sflag:s8], $0x2000  }
0x157: {  	[sflag:s8] =	ssyncset.done $0x0  }
0x158: {  	s15 =	simm.s32 $0x4E00;
	[sflag:s8] =	ssyncadd.s32 $0xFFFFE000  }
0x159: {  	[tilespmem:s28], [sflag:$0x2] =	stream.indirect.gather [hbm4b:s1+s25], $0x40, s15, s25, $0xb8;
	[tilespmem:$0x1D980] =	vst v63  }
0x15a: {  	_ =	swait.ge [sflag:s21], $0x2000  }
0x15b: {  	[sflag:s21] =	ssyncset.done $0x0  }
0x15c: {  	s16 =	simm.s32 $0x9C00;
	[sflag:s21] =	ssyncadd.s32 $0xFFFFE000  }
0x15d: {  	[spmem:s2] =	stream.indirect.scatter.add.f32 [tilespmem:s26], [sflag:$0x6], $0x40, s16, s25, $0xb8;
	[tilespmem:$0x1D980] =	vst v63  }
0x15e: {  	_ =	swait.ge [sflag:s9], $0x2000  }
0x15f: {  	[sflag:s9] =	ssyncset.done $0x0  }
0x160: {  	s17 =	simm.s32 $0x9C80;
	[sflag:s9] =	ssyncadd.s32 $0xFFFFE000  }
0x161: {  	[spmem:s2] =	stream.indirect.scatter.add.f32 [tilespmem:s28], [sflag:$0x7], $0x40, s17, s25, $0xb8;
	[tilespmem:$0x1D980] =	vst v63  }
0x162: {  	_ =	swait.ge [sflag:s24], $0x2000  }
0x163: {  	[sflag:s24] =	ssyncset.done $0x0  }
0x164: {  	[sflag:s24] =	ssyncadd.s32 $0xFFFFE000  }
0x165: {  	_ =	swait.ge [sflag:s8], $0x2000  }
0x166: {  	[sflag:s8] =	ssyncset.done $0x0  }
0x167: {  	[sflag:s8] =	ssyncadd.s32 $0xFFFFE000  }
0x168: {  	_ =	swait.ge [sflag:s22], $0x2000  }
0x169: {  	[sflag:s22] =	ssyncset.done $0x0  }
0x16a: {  	[sflag:s22] =	ssyncadd.s32 $0xFFFFE000  }
0x16b: {  	_ =	swait.ge [sflag:s14], $0x2000  }
0x16c: {  	[sflag:s14] =	ssyncset.done $0x0  }
0x16d: {  	[sflag:s14] =	ssyncadd.s32 $0xFFFFE000  }
0x16e: {  	_ =	swait.ge [sflag:s10], $0x2000  }
0x16f: {  	[sflag:s10] =	ssyncset.done $0x0  }
0x170: {  	[sflag:s10] =	ssyncadd.s32 $0xFFFFE000  }
0x171: {  	[bflag:$0x0] =	sbarrier.arrive $0xFFFF  }
0x172: {  	s19 =	rddreg [dreg:$0x10]  }
0x173: {  	s5 =	rddreg [dreg:$0x9];
	s4 =	sor.u32 $0x1C0B, s19  }
0x174: {  	[hbm:s5@s23], [sflag:s4] =	dma.strided [spmem:s20@s22], $0x1380, s21, $0x8   }
.Ltmp7:
0x175: {  	_ = 	snop;
	(pc) =	sbr.rel @!p2 .LBB2_9-.Ltmp7, $4  }
.Ltmp8:
0x176: {  	_ = 	snop;
	(pc) =	sbr.rel @p2 .LBB2_8-.Ltmp8, $4  }
0x177: {  	_ =	swait.ge [sflag:s31], $0x1380  }
0x178: {  	[sflag:s31] =	ssyncset.done $0x0  }
0x179: {  	s15 =	rddreg [dreg:$0xa];
	[sflag:s31] =	ssyncadd.s32 $0xFFFFEC80  }
0x17a: {  	_ = 	snop  }
.LBB2_10:
0x17b: {  	_ =	sfence.sel $0x180000  }
0x17c: {  	[bflag:$0x0] =	sbarrier.arrive $0xFFFF  }
0x17d: {  	_ =	strace $0x90000047  }
0x17e: {  	[bflag:$0x2] =	sbarrier.arrive $0xFFFF  }
0x17f: {  	s0 =	rddreg [dreg:$0x4]  }
0x180: {  	s0 =	sadd.s32 @!p1 $0x100000, s0  }
0x181: {  	[sflag:s0] =	ssyncadd.tile.s32 @!p1 $0x1;
	_ =	shalt  }
.Lfunc_end2:
_tile_overlayer_lowered:
.L_overlay_start_2:
0x182: {  	(tag) =	ssettag $0x2  }
0x183: {  	s0 =	rddreg [dreg:$0x0];
	s2 =	stileid.u32  }
0x184: {  	s1 =	rddreg [dreg:$0x1];
	p0 =	sne.s32 s2, $0x0  }
0x185: {  	s3 =	rddreg [dreg:$0x2];
	[bflag:$0x3] =	sbarrier.arrive $0xFFFF;
	s2 =	simm.s32 @!p0 $0x1C0B  }
0x186: {  	[timem:s3], [sflag:s2] =	dma.local @!p0 [hbm:s0], s1  }
0x187: {  	s0 =	simm.s32 @!p0 $0xB  }
0x188: {  	_ =	swait.ge @!p0 [sflag:s0], s1  }
0x189: {  	s1 =	ssub.s32 @!p0 $0x0, s1;
	[sflag:s0] =	ssyncset.done @!p0 $0x0  }
0x18a: {  	[sflag:s0] =	ssyncadd.s32 @!p0 s1  }
0x18b: {  	[bflag:$0x3] =	sbarrier.arrive $0xFFFF  }
0x18c: {  	_ =	shalt  }

</sc_bundles>
